<compile_context>
chip_gen: v7x
topology: tpu7x:2x2x1
jax: 0.10.2.dev20260603
libtpu: 0.0.44.dev20260713+nightly
codegen_flags: <defaults>
</compile_context>

<pallas_src>
import functools

import jax
import jax.numpy as jnp
from jax import lax
from jax.experimental import pallas as pl
from jax.experimental.pallas import tpu as pltpu
from jax.experimental.pallas import tpu_sc as plsc


def _make_sc_embed(B, S, D, n_per, n_cores, n_sub, n_chunks):
    R = n_per // n_chunks
    n_slices = (S // n_per) // n_cores
    ld_rows = (n_slices * n_per) // n_sub
    mesh = plsc.VectorSubcoreMesh(core_axis_name="c", subcore_axis_name="s")

    @functools.partial(
        pl.kernel,
        mesh=mesh,
        out_type=jax.ShapeDtypeStruct((B, S, D), jnp.float32),
        scratch_types=[
            pltpu.VMEM((n_per,), jnp.int32),
            pltpu.VMEM((n_per, D), jnp.float32),
            pltpu.VMEM((n_per, D), jnp.float32),
            pltpu.VMEM_SHARED((n_slices, n_per, D), jnp.float32),
        ]
        + [pltpu.SemaphoreType.DMA] * (3 * n_chunks + 1),
    )
    def body(x_hbm, tok_hbm, pos_hbm, out_hbm, idx_v, tok_v, acc_v, pos_sh, *sems):
        gsems = sems[:n_chunks]
        psems = sems[n_chunks : 2 * n_chunks]
        osems = sems[2 * n_chunks : 3 * n_chunks]
        lsem = sems[3 * n_chunks]
        sid = lax.axis_index("s")
        cid = lax.axis_index("c")
        wid = sid * n_cores + cid
        base = wid * n_per
        b = base // S
        s0 = lax.rem(base, S)

        per_slice = n_sub // n_slices
        jl = sid // per_slice
        ro = lax.rem(sid, per_slice) * ld_rows
        gstart = pl.multiple_of((n_cores * jl + cid) * n_per + ro, ld_rows)
        pload = pltpu.async_copy(
            pos_hbm.at[pl.ds(gstart, ld_rows)],
            pos_sh.at[jl, pl.ds(ro, ld_rows)],
            lsem,
        )

        pltpu.sync_copy(x_hbm.at[b, pl.ds(s0, n_per)], idx_v)
        gathers = []
        for i in range(0, n_chunks):
            sl = pl.ds(i * R, R)
            gathers.append(
                pltpu.async_copy(tok_hbm.at[idx_v.at[sl]], tok_v.at[sl], gsems[i])
            )

        pload.wait()
        plsc.subcore_barrier()
        j = lax.rem(sid, n_slices)
        poss = []
        for i in range(n_chunks):
            poss.append(
                pltpu.async_copy(
                    pos_sh.at[j, pl.ds(i * R, R)],
                    acc_v.at[pl.ds(i * R, R)],
                    psems[i],
                )
            )

        outs = []
        for i in range(n_chunks):
            gathers[i].wait()
            poss[i].wait()

            def row_body(r, carry):
                for c in range(D // 16):
                    csl = pl.ds(c * 16, 16)
                    plsc.addupdate(acc_v.at[r, csl], tok_v[r, csl])
                return carry

            lax.fori_loop(i * R, (i + 1) * R, row_body, 0)
            outs.append(
                pltpu.async_copy(
                    acc_v.at[pl.ds(i * R, R)],
                    out_hbm.at[b, pl.ds(s0 + i * R, R)],
                    osems[i],
                )
            )
        for o in outs:
            o.wait()

    return body


def kernel(x, token_table, pos_table):
    B, S = x.shape
    V, D = token_table.shape
    N = B * S
    info = plsc.get_sparse_core_info()
    nw = info.num_cores * info.num_subcores
    n_per = N // nw
    fn = _make_sc_embed(
        B, S, D, n_per, info.num_cores, info.num_subcores, n_chunks=8
    )
    xi = x if x.dtype == jnp.int32 else x.astype(jnp.int32)
    return fn(xi, token_table, pos_table)

# --- scband reference (transcript-rebuilt; emitter-appended) ---
"""Pipeline reference for scband-embedding-block-64518998720632 (READ-ONLY COPY).

The authoritative reference and input builder live on the scoring server;
editing this copy changes nothing except your own understanding.
"""

import jax, jax.numpy as jnp
import numpy as np

WORDS = 1000000
SEQ_LEN = 2048
DIMS = 128
BATCH = 4

def setup_inputs(seed: int = 0) -> dict:
    key = jax.random.key(seed)
    k1, k2, k3 = jax.random.split(key, 3)
    x = jax.random.randint(k1, (BATCH, SEQ_LEN), 0, WORDS, dtype=jnp.int64 if jax.config.jax_enable_x64 else jnp.int32)
    token_table = jax.random.normal(k2, (WORDS, DIMS), dtype=jnp.float32) * 0.02
    pos_table = jax.random.normal(k3, (SEQ_LEN, DIMS), dtype=jnp.float32) * 0.02
    return {"x": x, "token_table": token_table, "pos_table": pos_table}

def reference(x, token_table, pos_table):
    # token embedding: gather rows from the large vocab table
    tok = jnp.take(token_table, x, axis=0)  # (..., seq_len, dims)
    # positional embedding: positions arange(offset, offset+seq_len), offset=0
    seq_len = x.shape[-1]
    position = jnp.arange(0, seq_len)
    position = jnp.broadcast_to(position.reshape((1,) * (x.ndim - 1) + (-1,)), x.shape)
    pos = jnp.take(pos_table, position, axis=0)  # (..., seq_len, dims)
    # dropout prob = 0.0 -> identity (eval-mode equivalent)
    return tok + pos

if __name__ == "__main__":
    import jax
    _d = setup_inputs()
    print(jax.jit(kernel)(*tuple(_d.values())))

</pallas_src>

<mosaic_0001>
#map = affine_map<(d0, d1) -> (0, 0)>
#map1 = affine_map<(d0, d1) -> (0, 0, 0)>
module attributes {stable_mosaic.version = 14 : i64} {
  func.func @body(%arg0: i32, %arg1: i32, %arg2: memref<4x2048xi32, #tpu.memory_space<hbm>>, %arg3: memref<1000000x128xf32, #tpu.memory_space<hbm>>, %arg4: memref<2048x128xf32, #tpu.memory_space<hbm>>, %arg5: memref<4x2048x128xf32, #tpu.memory_space<hbm>>, %arg6: memref<256xi32, #tpu.memory_space<vmem>>, %arg7: memref<256x128xf32, #tpu.memory_space<vmem>>, %arg8: memref<256x128xf32, #tpu.memory_space<vmem>>, %arg9: memref<4x256x128xf32, #tpu.memory_space<vmem_shared>>, %arg10: memref<!tpu.dma_semaphore, #tpu.memory_space<semaphore_mem>>, %arg11: memref<!tpu.dma_semaphore, #tpu.memory_space<semaphore_mem>>, %arg12: memref<!tpu.dma_semaphore, #tpu.memory_space<semaphore_mem>>, %arg13: memref<!tpu.dma_semaphore, #tpu.memory_space<semaphore_mem>>, %arg14: memref<!tpu.dma_semaphore, #tpu.memory_space<semaphore_mem>>, %arg15: memref<!tpu.dma_semaphore, #tpu.memory_space<semaphore_mem>>, %arg16: memref<!tpu.dma_semaphore, #tpu.memory_space<semaphore_mem>>, %arg17: memref<!tpu.dma_semaphore, #tpu.memory_space<semaphore_mem>>, %arg18: memref<!tpu.dma_semaphore, #tpu.memory_space<semaphore_mem>>, %arg19: memref<!tpu.dma_semaphore, #tpu.memory_space<semaphore_mem>>, %arg20: memref<!tpu.dma_semaphore, #tpu.memory_space<semaphore_mem>>, %arg21: memref<!tpu.dma_semaphore, #tpu.memory_space<semaphore_mem>>, %arg22: memref<!tpu.dma_semaphore, #tpu.memory_space<semaphore_mem>>, %arg23: memref<!tpu.dma_semaphore, #tpu.memory_space<semaphore_mem>>, %arg24: memref<!tpu.dma_semaphore, #tpu.memory_space<semaphore_mem>>, %arg25: memref<!tpu.dma_semaphore, #tpu.memory_space<semaphore_mem>>, %arg26: memref<!tpu.dma_semaphore, #tpu.memory_space<semaphore_mem>>, %arg27: memref<!tpu.dma_semaphore, #tpu.memory_space<semaphore_mem>>, %arg28: memref<!tpu.dma_semaphore, #tpu.memory_space<semaphore_mem>>, %arg29: memref<!tpu.dma_semaphore, #tpu.memory_space<semaphore_mem>>, %arg30: memref<!tpu.dma_semaphore, #tpu.memory_space<semaphore_mem>>, %arg31: memref<!tpu.dma_semaphore, #tpu.memory_space<semaphore_mem>>, %arg32: memref<!tpu.dma_semaphore, #tpu.memory_space<semaphore_mem>>, %arg33: memref<!tpu.dma_semaphore, #tpu.memory_space<semaphore_mem>>, %arg34: memref<!tpu.dma_semaphore, #tpu.memory_space<semaphore_mem>>) attributes {dimension_semantics = [#tpu.dimension_semantics<core_parallel>, #tpu.dimension_semantics<subcore_parallel>], iteration_bounds = array<i64: 2, 16>, scalar_prefetch = 0 : i64, scratch_operands = 29 : i64, tpu.core_type = #tpu.core_type<sc_vector_subcore>, window_params = [{transform_indices = #map}, {transform_indices = #map}, {transform_indices = #map}, {transform_indices = #map1}]} {
    %mul3A = arith.constant 2 : i32
    %mul3A_0 = arith.muli %arg1, %mul3A : i32
    %add3A = arith.addi %mul3A_0, %arg0 : i32
    %mul3A_1 = arith.constant 256 : i32
    %mul3A_2 = arith.muli %add3A, %mul3A_1 : i32
    %jit3A = arith.constant 2048 : i32
    %div3A = arith.divsi %mul3A_2, %jit3A : i32
    %sign3A = arith.constant 0 : i32
    %sign3A_3 = arith.cmpi sgt, %mul3A_2, %sign3A : i32
    %sign3A_4 = arith.extui %sign3A_3 : i1 to i32
    %sign3A_5 = arith.constant 0 : i32
    %sign3A_6 = arith.cmpi slt, %mul3A_2, %sign3A_5 : i32
    %sign3A_7 = arith.extui %sign3A_6 : i1 to i32
    %sign3A_8 = arith.subi %sign3A_4, %sign3A_7 : i32
    %sign3A_9 = arith.constant 0 : i32
    %sign3A_10 = arith.cmpi sgt, %jit3A, %sign3A_9 : i32
    %sign3A_11 = arith.extui %sign3A_10 : i1 to i32
    %sign3A_12 = arith.constant 0 : i32
    %sign3A_13 = arith.cmpi slt, %jit3A, %sign3A_12 : i32
    %sign3A_14 = arith.extui %sign3A_13 : i1 to i32
    %sign3A_15 = arith.subi %sign3A_11, %sign3A_14 : i32
    %ne3A = arith.cmpi ne, %sign3A_8, %sign3A_15 : i32
    %rem3A = arith.remsi %mul3A_2, %jit3A : i32
    %ne3A_16 = arith.constant 0 : i32
    %ne3A_17 = arith.cmpi ne, %rem3A, %ne3A_16 : i32
    %and3A = arith.andi %ne3A, %ne3A_17 : i1
    %sub3A = arith.constant 1 : i32
    %sub3A_18 = arith.subi %div3A, %sub3A : i32
    %select_n3A = arith.select %and3A, %sub3A_18, %div3A : i32
    %rem3A_19 = arith.constant 2048 : i32
    %rem3A_20 = arith.remsi %mul3A_2, %rem3A_19 : i32
    %jit3A_21 = arith.constant 4 : i32
    %div3A_22 = arith.divsi %arg1, %jit3A_21 : i32
    %sign3A_23 = arith.constant 0 : i32
    %sign3A_24 = arith.cmpi sgt, %arg1, %sign3A_23 : i32
    %sign3A_25 = arith.extui %sign3A_24 : i1 to i32
    %sign3A_26 = arith.constant 0 : i32
    %sign3A_27 = arith.cmpi slt, %arg1, %sign3A_26 : i32
    %sign3A_28 = arith.extui %sign3A_27 : i1 to i32
    %sign3A_29 = arith.subi %sign3A_25, %sign3A_28 : i32
    %sign3A_30 = arith.constant 0 : i32
    %sign3A_31 = arith.cmpi sgt, %jit3A_21, %sign3A_30 : i32
    %sign3A_32 = arith.extui %sign3A_31 : i1 to i32
    %sign3A_33 = arith.constant 0 : i32
    %sign3A_34 = arith.cmpi slt, %jit3A_21, %sign3A_33 : i32
    %sign3A_35 = arith.extui %sign3A_34 : i1 to i32
    %sign3A_36 = arith.subi %sign3A_32, %sign3A_35 : i32
    %ne3A_37 = arith.cmpi ne, %sign3A_29, %sign3A_36 : i32
    %rem3A_38 = arith.remsi %arg1, %jit3A_21 : i32
    %ne3A_39 = arith.constant 0 : i32
    %ne3A_40 = arith.cmpi ne, %rem3A_38, %ne3A_39 : i32
    %and3A_41 = arith.andi %ne3A_37, %ne3A_40 : i1
    %sub3A_42 = arith.constant 1 : i32
    %sub3A_43 = arith.subi %div3A_22, %sub3A_42 : i32
    %select_n3A_44 = arith.select %and3A_41, %sub3A_43, %div3A_22 : i32
    %rem3A_45 = arith.constant 4 : i32
    %rem3A_46 = arith.remsi %arg1, %rem3A_45 : i32
    %mul3A_47 = arith.constant 64 : i32
    %mul3A_48 = arith.muli %rem3A_46, %mul3A_47 : i32
    %mul3A_49 = arith.constant 2 : i32
    %mul3A_50 = arith.muli %mul3A_49, %select_n3A_44 : i32
    %add3A_51 = arith.addi %mul3A_50, %arg0 : i32
    %mul3A_52 = arith.constant 256 : i32
    %mul3A_53 = arith.muli %add3A_51, %mul3A_52 : i32
    %add3A_54 = arith.addi %mul3A_53, %mul3A_48 : i32
    %multiple_of3A = tpu.assume_multiple %add3A_54, 64 : i32
    %dma_start3A = arith.constant 0 : i32
    %dma_start3A_55 = tpu.memref_slice %arg9[%select_n3A_44, %mul3A_48, %dma_start3A] : memref<4x256x128xf32, #tpu.memory_space<vmem_shared>> -> memref<1x64x128xf32, #tpu.memory_space<vmem_shared>>
    %dma_start3A_56 = tpu.memref_squeeze %dma_start3A_55 : memref<1x64x128xf32, #tpu.memory_space<vmem_shared>> -> memref<64x128xf32, #tpu.memory_space<vmem_shared>>
    %dma_start3A_57 = arith.constant 0 : i32
    %dma_start3A_58 = tpu.memref_slice %arg4[%multiple_of3A, %dma_start3A_57] : memref<2048x128xf32, #tpu.memory_space<hbm>> -> memref<64x128xf32, #tpu.memory_space<hbm>>
    tpu.enqueue_dma source(%dma_start3A_58 : memref<64x128xf32, #tpu.memory_space<hbm>>) target(%dma_start3A_56 : memref<64x128xf32, #tpu.memory_space<vmem_shared>>) target_semaphore(%arg34 : memref<!tpu.dma_semaphore, #tpu.memory_space<semaphore_mem>>)
    "tpu.region"() ({
      %run_scoped3A = tpu.sem_alloc : memref<!tpu.dma_semaphore, #tpu.memory_space<semaphore_mem>>
      %dma_start3A_672 = tpu.memref_slice %arg2[%select_n3A, %rem3A_20] : memref<4x2048xi32, #tpu.memory_space<hbm>> -> memref<1x256xi32, #tpu.memory_space<hbm>>
      %dma_start3A_673 = tpu.memref_squeeze %dma_start3A_672 : memref<1x256xi32, #tpu.memory_space<hbm>> -> memref<256xi32, #tpu.memory_space<hbm>>
      %dma_start3A_674 = tpu.memref_slice %arg2[%select_n3A, %rem3A_20] : memref<4x2048xi32, #tpu.memory_space<hbm>> -> memref<1x256xi32, #tpu.memory_space<hbm>>
      %dma_start3A_675 = tpu.memref_squeeze %dma_start3A_674 : memref<1x256xi32, #tpu.memory_space<hbm>> -> memref<256xi32, #tpu.memory_space<hbm>>
      tpu.enqueue_dma source(%dma_start3A_675 : memref<256xi32, #tpu.memory_space<hbm>>) target(%arg6 : memref<256xi32, #tpu.memory_space<vmem>>) target_semaphore(%run_scoped3A : memref<!tpu.dma_semaphore, #tpu.memory_space<semaphore_mem>>)
      %dma_wait3A_676 = tpu.memref_slice %arg2[%select_n3A, %rem3A_20] : memref<4x2048xi32, #tpu.memory_space<hbm>> -> memref<1x256xi32, #tpu.memory_space<hbm>>
      %dma_wait3A_677 = tpu.memref_squeeze %dma_wait3A_676 : memref<1x256xi32, #tpu.memory_space<hbm>> -> memref<256xi32, #tpu.memory_space<hbm>>
      %dma_wait3A_678 = tpu.memref_slice %arg2[%select_n3A, %rem3A_20] : memref<4x2048xi32, #tpu.memory_space<hbm>> -> memref<1x256xi32, #tpu.memory_space<hbm>>
      %dma_wait3A_679 = tpu.memref_squeeze %dma_wait3A_678 : memref<1x256xi32, #tpu.memory_space<hbm>> -> memref<256xi32, #tpu.memory_space<hbm>>
      tpu.wait_dma2 semaphore(%run_scoped3A : memref<!tpu.dma_semaphore, #tpu.memory_space<semaphore_mem>>) src(%dma_wait3A_679 : memref<256xi32, #tpu.memory_space<hbm>>) dst(%arg6 : memref<256xi32, #tpu.memory_space<vmem>>)
      tpu.yield
    }) : () -> ()
    %dma_start3A_59 = arith.constant 0 : i32
    %dma_start3A_60 = arith.constant 0 : i32
    %dma_start3A_61 = tpu.memref_slice %arg7[%dma_start3A_59, %dma_start3A_60] : memref<256x128xf32, #tpu.memory_space<vmem>> -> memref<32x128xf32, #tpu.memory_space<vmem>>
    %dma_start3A_62 = arith.constant 0 : i32
    %dma_start3A_63 = tpu.memref_slice %arg6[%dma_start3A_62] : memref<256xi32, #tpu.memory_space<vmem>> -> memref<32xi32, #tpu.memory_space<vmem>>
    %dma_start3A_64 = arith.constant 0 : i32
    %dma_start3A_65 = arith.constant 0 : i32
    %dma_start3A_66 = tpu.memref_slice %arg3[%dma_start3A_64, %dma_start3A_65] : memref<1000000x128xf32, #tpu.memory_space<hbm>> -> memref<1000000x128xf32, #tpu.memory_space<hbm>>
    tpu.enqueue_indirect_dma source(%dma_start3A_66 : memref<1000000x128xf32, #tpu.memory_space<hbm>>) target(%dma_start3A_61 : memref<32x128xf32, #tpu.memory_space<vmem>>) offsets(%dma_start3A_63 : memref<32xi32, #tpu.memory_space<vmem>>) semaphore(%arg10 : memref<!tpu.dma_semaphore, #tpu.memory_space<semaphore_mem>>)
    %dma_start3A_67 = arith.constant 32 : i32
    %dma_start3A_68 = arith.constant 0 : i32
    %dma_start3A_69 = tpu.memref_slice %arg7[%dma_start3A_67, %dma_start3A_68] : memref<256x128xf32, #tpu.memory_space<vmem>> -> memref<32x128xf32, #tpu.memory_space<vmem>>
    %dma_start3A_70 = arith.constant 32 : i32
    %dma_start3A_71 = tpu.memref_slice %arg6[%dma_start3A_70] : memref<256xi32, #tpu.memory_space<vmem>> -> memref<32xi32, #tpu.memory_space<vmem>>
    %dma_start3A_72 = arith.constant 0 : i32
    %dma_start3A_73 = arith.constant 0 : i32
    %dma_start3A_74 = tpu.memref_slice %arg3[%dma_start3A_72, %dma_start3A_73] : memref<1000000x128xf32, #tpu.memory_space<hbm>> -> memref<1000000x128xf32, #tpu.memory_space<hbm>>
    tpu.enqueue_indirect_dma source(%dma_start3A_74 : memref<1000000x128xf32, #tpu.memory_space<hbm>>) target(%dma_start3A_69 : memref<32x128xf32, #tpu.memory_space<vmem>>) offsets(%dma_start3A_71 : memref<32xi32, #tpu.memory_space<vmem>>) semaphore(%arg11 : memref<!tpu.dma_semaphore, #tpu.memory_space<semaphore_mem>>)
    %dma_start3A_75 = arith.constant 64 : i32
    %dma_start3A_76 = arith.constant 0 : i32
    %dma_start3A_77 = tpu.memref_slice %arg7[%dma_start3A_75, %dma_start3A_76] : memref<256x128xf32, #tpu.memory_space<vmem>> -> memref<32x128xf32, #tpu.memory_space<vmem>>
    %dma_start3A_78 = arith.constant 64 : i32
    %dma_start3A_79 = tpu.memref_slice %arg6[%dma_start3A_78] : memref<256xi32, #tpu.memory_space<vmem>> -> memref<32xi32, #tpu.memory_space<vmem>>
    %dma_start3A_80 = arith.constant 0 : i32
    %dma_start3A_81 = arith.constant 0 : i32
    %dma_start3A_82 = tpu.memref_slice %arg3[%dma_start3A_80, %dma_start3A_81] : memref<1000000x128xf32, #tpu.memory_space<hbm>> -> memref<1000000x128xf32, #tpu.memory_space<hbm>>
    tpu.enqueue_indirect_dma source(%dma_start3A_82 : memref<1000000x128xf32, #tpu.memory_space<hbm>>) target(%dma_start3A_77 : memref<32x128xf32, #tpu.memory_space<vmem>>) offsets(%dma_start3A_79 : memref<32xi32, #tpu.memory_space<vmem>>) semaphore(%arg12 : memref<!tpu.dma_semaphore, #tpu.memory_space<semaphore_mem>>)
    %dma_start3A_83 = arith.constant 96 : i32
    %dma_start3A_84 = arith.constant 0 : i32
    %dma_start3A_85 = tpu.memref_slice %arg7[%dma_start3A_83, %dma_start3A_84] : memref<256x128xf32, #tpu.memory_space<vmem>> -> memref<32x128xf32, #tpu.memory_space<vmem>>
    %dma_start3A_86 = arith.constant 96 : i32
    %dma_start3A_87 = tpu.memref_slice %arg6[%dma_start3A_86] : memref<256xi32, #tpu.memory_space<vmem>> -> memref<32xi32, #tpu.memory_space<vmem>>
    %dma_start3A_88 = arith.constant 0 : i32
    %dma_start3A_89 = arith.constant 0 : i32
    %dma_start3A_90 = tpu.memref_slice %arg3[%dma_start3A_88, %dma_start3A_89] : memref<1000000x128xf32, #tpu.memory_space<hbm>> -> memref<1000000x128xf32, #tpu.memory_space<hbm>>
    tpu.enqueue_indirect_dma source(%dma_start3A_90 : memref<1000000x128xf32, #tpu.memory_space<hbm>>) target(%dma_start3A_85 : memref<32x128xf32, #tpu.memory_space<vmem>>) offsets(%dma_start3A_87 : memref<32xi32, #tpu.memory_space<vmem>>) semaphore(%arg13 : memref<!tpu.dma_semaphore, #tpu.memory_space<semaphore_mem>>)
    %dma_start3A_91 = arith.constant 128 : i32
    %dma_start3A_92 = arith.constant 0 : i32
    %dma_start3A_93 = tpu.memref_slice %arg7[%dma_start3A_91, %dma_start3A_92] : memref<256x128xf32, #tpu.memory_space<vmem>> -> memref<32x128xf32, #tpu.memory_space<vmem>>
    %dma_start3A_94 = arith.constant 128 : i32
    %dma_start3A_95 = tpu.memref_slice %arg6[%dma_start3A_94] : memref<256xi32, #tpu.memory_space<vmem>> -> memref<32xi32, #tpu.memory_space<vmem>>
    %dma_start3A_96 = arith.constant 0 : i32
    %dma_start3A_97 = arith.constant 0 : i32
    %dma_start3A_98 = tpu.memref_slice %arg3[%dma_start3A_96, %dma_start3A_97] : memref<1000000x128xf32, #tpu.memory_space<hbm>> -> memref<1000000x128xf32, #tpu.memory_space<hbm>>
    tpu.enqueue_indirect_dma source(%dma_start3A_98 : memref<1000000x128xf32, #tpu.memory_space<hbm>>) target(%dma_start3A_93 : memref<32x128xf32, #tpu.memory_space<vmem>>) offsets(%dma_start3A_95 : memref<32xi32, #tpu.memory_space<vmem>>) semaphore(%arg14 : memref<!tpu.dma_semaphore, #tpu.memory_space<semaphore_mem>>)
    %dma_start3A_99 = arith.constant 160 : i32
    %dma_start3A_100 = arith.constant 0 : i32
    %dma_start3A_101 = tpu.memref_slice %arg7[%dma_start3A_99, %dma_start3A_100] : memref<256x128xf32, #tpu.memory_space<vmem>> -> memref<32x128xf32, #tpu.memory_space<vmem>>
    %dma_start3A_102 = arith.constant 160 : i32
    %dma_start3A_103 = tpu.memref_slice %arg6[%dma_start3A_102] : memref<256xi32, #tpu.memory_space<vmem>> -> memref<32xi32, #tpu.memory_space<vmem>>
    %dma_start3A_104 = arith.constant 0 : i32
    %dma_start3A_105 = arith.constant 0 : i32
    %dma_start3A_106 = tpu.memref_slice %arg3[%dma_start3A_104, %dma_start3A_105] : memref<1000000x128xf32, #tpu.memory_space<hbm>> -> memref<1000000x128xf32, #tpu.memory_space<hbm>>
    tpu.enqueue_indirect_dma source(%dma_start3A_106 : memref<1000000x128xf32, #tpu.memory_space<hbm>>) target(%dma_start3A_101 : memref<32x128xf32, #tpu.memory_space<vmem>>) offsets(%dma_start3A_103 : memref<32xi32, #tpu.memory_space<vmem>>) semaphore(%arg15 : memref<!tpu.dma_semaphore, #tpu.memory_space<semaphore_mem>>)
    %dma_start3A_107 = arith.constant 192 : i32
    %dma_start3A_108 = arith.constant 0 : i32
    %dma_start3A_109 = tpu.memref_slice %arg7[%dma_start3A_107, %dma_start3A_108] : memref<256x128xf32, #tpu.memory_space<vmem>> -> memref<32x128xf32, #tpu.memory_space<vmem>>
    %dma_start3A_110 = arith.constant 192 : i32
    %dma_start3A_111 = tpu.memref_slice %arg6[%dma_start3A_110] : memref<256xi32, #tpu.memory_space<vmem>> -> memref<32xi32, #tpu.memory_space<vmem>>
    %dma_start3A_112 = arith.constant 0 : i32
    %dma_start3A_113 = arith.constant 0 : i32
    %dma_start3A_114 = tpu.memref_slice %arg3[%dma_start3A_112, %dma_start3A_113] : memref<1000000x128xf32, #tpu.memory_space<hbm>> -> memref<1000000x128xf32, #tpu.memory_space<hbm>>
    tpu.enqueue_indirect_dma source(%dma_start3A_114 : memref<1000000x128xf32, #tpu.memory_space<hbm>>) target(%dma_start3A_109 : memref<32x128xf32, #tpu.memory_space<vmem>>) offsets(%dma_start3A_111 : memref<32xi32, #tpu.memory_space<vmem>>) semaphore(%arg16 : memref<!tpu.dma_semaphore, #tpu.memory_space<semaphore_mem>>)
    %dma_start3A_115 = arith.constant 224 : i32
    %dma_start3A_116 = arith.constant 0 : i32
    %dma_start3A_117 = tpu.memref_slice %arg7[%dma_start3A_115, %dma_start3A_116] : memref<256x128xf32, #tpu.memory_space<vmem>> -> memref<32x128xf32, #tpu.memory_space<vmem>>
    %dma_start3A_118 = arith.constant 224 : i32
    %dma_start3A_119 = tpu.memref_slice %arg6[%dma_start3A_118] : memref<256xi32, #tpu.memory_space<vmem>> -> memref<32xi32, #tpu.memory_space<vmem>>
    %dma_start3A_120 = arith.constant 0 : i32
    %dma_start3A_121 = arith.constant 0 : i32
    %dma_start3A_122 = tpu.memref_slice %arg3[%dma_start3A_120, %dma_start3A_121] : memref<1000000x128xf32, #tpu.memory_space<hbm>> -> memref<1000000x128xf32, #tpu.memory_space<hbm>>
    tpu.enqueue_indirect_dma source(%dma_start3A_122 : memref<1000000x128xf32, #tpu.memory_space<hbm>>) target(%dma_start3A_117 : memref<32x128xf32, #tpu.memory_space<vmem>>) offsets(%dma_start3A_119 : memref<32xi32, #tpu.memory_space<vmem>>) semaphore(%arg17 : memref<!tpu.dma_semaphore, #tpu.memory_space<semaphore_mem>>)
    %dma_wait3A = arith.constant 0 : i32
    %dma_wait3A_123 = tpu.memref_slice %arg9[%select_n3A_44, %mul3A_48, %dma_wait3A] : memref<4x256x128xf32, #tpu.memory_space<vmem_shared>> -> memref<1x64x128xf32, #tpu.memory_space<vmem_shared>>
    %dma_wait3A_124 = tpu.memref_squeeze %dma_wait3A_123 : memref<1x64x128xf32, #tpu.memory_space<vmem_shared>> -> memref<64x128xf32, #tpu.memory_space<vmem_shared>>
    %dma_wait3A_125 = arith.constant 0 : i32
    %dma_wait3A_126 = tpu.memref_slice %arg4[%multiple_of3A, %dma_wait3A_125] : memref<2048x128xf32, #tpu.memory_space<hbm>> -> memref<64x128xf32, #tpu.memory_space<hbm>>
    tpu.wait_dma2 semaphore(%arg34 : memref<!tpu.dma_semaphore, #tpu.memory_space<semaphore_mem>>) src(%dma_wait3A_126 : memref<64x128xf32, #tpu.memory_space<hbm>>) dst(%dma_wait3A_124 : memref<64x128xf32, #tpu.memory_space<vmem_shared>>)
    %barrier3A = arith.constant 0 : index
    tpu.barrier barrier_id(%barrier3A)
    %rem3A_127 = arith.constant 4 : i32
    %rem3A_128 = arith.remsi %arg1, %rem3A_127 : i32
    %dma_start3A_129 = arith.constant 0 : i32
    %dma_start3A_130 = arith.constant 0 : i32
    %dma_start3A_131 = tpu.memref_slice %arg8[%dma_start3A_129, %dma_start3A_130] : memref<256x128xf32, #tpu.memory_space<vmem>> -> memref<32x128xf32, #tpu.memory_space<vmem>>
    %dma_start3A_132 = arith.constant 0 : i32
    %dma_start3A_133 = arith.constant 0 : i32
    %dma_start3A_134 = tpu.memref_slice %arg9[%rem3A_128, %dma_start3A_132, %dma_start3A_133] : memref<4x256x128xf32, #tpu.memory_space<vmem_shared>> -> memref<1x32x128xf32, #tpu.memory_space<vmem_shared>>
    %dma_start3A_135 = tpu.memref_squeeze %dma_start3A_134 : memref<1x32x128xf32, #tpu.memory_space<vmem_shared>> -> memref<32x128xf32, #tpu.memory_space<vmem_shared>>
    %dma_start3A_136 = arith.constant 0 : i32
    %dma_start3A_137 = arith.constant 0 : i32
    %dma_start3A_138 = tpu.memref_slice %arg8[%dma_start3A_136, %dma_start3A_137] : memref<256x128xf32, #tpu.memory_space<vmem>> -> memref<32x128xf32, #tpu.memory_space<vmem>>
    %dma_start3A_139 = arith.constant 0 : i32
    %dma_start3A_140 = arith.constant 0 : i32
    %dma_start3A_141 = tpu.memref_slice %arg9[%rem3A_128, %dma_start3A_139, %dma_start3A_140] : memref<4x256x128xf32, #tpu.memory_space<vmem_shared>> -> memref<1x32x128xf32, #tpu.memory_space<vmem_shared>>
    %dma_start3A_142 = tpu.memref_squeeze %dma_start3A_141 : memref<1x32x128xf32, #tpu.memory_space<vmem_shared>> -> memref<32x128xf32, #tpu.memory_space<vmem_shared>>
    tpu.enqueue_dma source(%dma_start3A_142 : memref<32x128xf32, #tpu.memory_space<vmem_shared>>) target(%dma_start3A_138 : memref<32x128xf32, #tpu.memory_space<vmem>>) target_semaphore(%arg18 : memref<!tpu.dma_semaphore, #tpu.memory_space<semaphore_mem>>)
    %dma_start3A_143 = arith.constant 32 : i32
    %dma_start3A_144 = arith.constant 0 : i32
    %dma_start3A_145 = tpu.memref_slice %arg8[%dma_start3A_143, %dma_start3A_144] : memref<256x128xf32, #tpu.memory_space<vmem>> -> memref<32x128xf32, #tpu.memory_space<vmem>>
    %dma_start3A_146 = arith.constant 32 : i32
    %dma_start3A_147 = arith.constant 0 : i32
    %dma_start3A_148 = tpu.memref_slice %arg9[%rem3A_128, %dma_start3A_146, %dma_start3A_147] : memref<4x256x128xf32, #tpu.memory_space<vmem_shared>> -> memref<1x32x128xf32, #tpu.memory_space<vmem_shared>>
    %dma_start3A_149 = tpu.memref_squeeze %dma_start3A_148 : memref<1x32x128xf32, #tpu.memory_space<vmem_shared>> -> memref<32x128xf32, #tpu.memory_space<vmem_shared>>
    %dma_start3A_150 = arith.constant 32 : i32
    %dma_start3A_151 = arith.constant 0 : i32
    %dma_start3A_152 = tpu.memref_slice %arg8[%dma_start3A_150, %dma_start3A_151] : memref<256x128xf32, #tpu.memory_space<vmem>> -> memref<32x128xf32, #tpu.memory_space<vmem>>
    %dma_start3A_153 = arith.constant 32 : i32
    %dma_start3A_154 = arith.constant 0 : i32
    %dma_start3A_155 = tpu.memref_slice %arg9[%rem3A_128, %dma_start3A_153, %dma_start3A_154] : memref<4x256x128xf32, #tpu.memory_space<vmem_shared>> -> memref<1x32x128xf32, #tpu.memory_space<vmem_shared>>
    %dma_start3A_156 = tpu.memref_squeeze %dma_start3A_155 : memref<1x32x128xf32, #tpu.memory_space<vmem_shared>> -> memref<32x128xf32, #tpu.memory_space<vmem_shared>>
    tpu.enqueue_dma source(%dma_start3A_156 : memref<32x128xf32, #tpu.memory_space<vmem_shared>>) target(%dma_start3A_152 : memref<32x128xf32, #tpu.memory_space<vmem>>) target_semaphore(%arg19 : memref<!tpu.dma_semaphore, #tpu.memory_space<semaphore_mem>>)
    %dma_start3A_157 = arith.constant 64 : i32
    %dma_start3A_158 = arith.constant 0 : i32
    %dma_start3A_159 = tpu.memref_slice %arg8[%dma_start3A_157, %dma_start3A_158] : memref<256x128xf32, #tpu.memory_space<vmem>> -> memref<32x128xf32, #tpu.memory_space<vmem>>
    %dma_start3A_160 = arith.constant 64 : i32
    %dma_start3A_161 = arith.constant 0 : i32
    %dma_start3A_162 = tpu.memref_slice %arg9[%rem3A_128, %dma_start3A_160, %dma_start3A_161] : memref<4x256x128xf32, #tpu.memory_space<vmem_shared>> -> memref<1x32x128xf32, #tpu.memory_space<vmem_shared>>
    %dma_start3A_163 = tpu.memref_squeeze %dma_start3A_162 : memref<1x32x128xf32, #tpu.memory_space<vmem_shared>> -> memref<32x128xf32, #tpu.memory_space<vmem_shared>>
    %dma_start3A_164 = arith.constant 64 : i32
    %dma_start3A_165 = arith.constant 0 : i32
    %dma_start3A_166 = tpu.memref_slice %arg8[%dma_start3A_164, %dma_start3A_165] : memref<256x128xf32, #tpu.memory_space<vmem>> -> memref<32x128xf32, #tpu.memory_space<vmem>>
    %dma_start3A_167 = arith.constant 64 : i32
    %dma_start3A_168 = arith.constant 0 : i32
    %dma_start3A_169 = tpu.memref_slice %arg9[%rem3A_128, %dma_start3A_167, %dma_start3A_168] : memref<4x256x128xf32, #tpu.memory_space<vmem_shared>> -> memref<1x32x128xf32, #tpu.memory_space<vmem_shared>>
    %dma_start3A_170 = tpu.memref_squeeze %dma_start3A_169 : memref<1x32x128xf32, #tpu.memory_space<vmem_shared>> -> memref<32x128xf32, #tpu.memory_space<vmem_shared>>
    tpu.enqueue_dma source(%dma_start3A_170 : memref<32x128xf32, #tpu.memory_space<vmem_shared>>) target(%dma_start3A_166 : memref<32x128xf32, #tpu.memory_space<vmem>>) target_semaphore(%arg20 : memref<!tpu.dma_semaphore, #tpu.memory_space<semaphore_mem>>)
    %dma_start3A_171 = arith.constant 96 : i32
    %dma_start3A_172 = arith.constant 0 : i32
    %dma_start3A_173 = tpu.memref_slice %arg8[%dma_start3A_171, %dma_start3A_172] : memref<256x128xf32, #tpu.memory_space<vmem>> -> memref<32x128xf32, #tpu.memory_space<vmem>>
    %dma_start3A_174 = arith.constant 96 : i32
    %dma_start3A_175 = arith.constant 0 : i32
    %dma_start3A_176 = tpu.memref_slice %arg9[%rem3A_128, %dma_start3A_174, %dma_start3A_175] : memref<4x256x128xf32, #tpu.memory_space<vmem_shared>> -> memref<1x32x128xf32, #tpu.memory_space<vmem_shared>>
    %dma_start3A_177 = tpu.memref_squeeze %dma_start3A_176 : memref<1x32x128xf32, #tpu.memory_space<vmem_shared>> -> memref<32x128xf32, #tpu.memory_space<vmem_shared>>
    %dma_start3A_178 = arith.constant 96 : i32
    %dma_start3A_179 = arith.constant 0 : i32
    %dma_start3A_180 = tpu.memref_slice %arg8[%dma_start3A_178, %dma_start3A_179] : memref<256x128xf32, #tpu.memory_space<vmem>> -> memref<32x128xf32, #tpu.memory_space<vmem>>
    %dma_start3A_181 = arith.constant 96 : i32
    %dma_start3A_182 = arith.constant 0 : i32
    %dma_start3A_183 = tpu.memref_slice %arg9[%rem3A_128, %dma_start3A_181, %dma_start3A_182] : memref<4x256x128xf32, #tpu.memory_space<vmem_shared>> -> memref<1x32x128xf32, #tpu.memory_space<vmem_shared>>
    %dma_start3A_184 = tpu.memref_squeeze %dma_start3A_183 : memref<1x32x128xf32, #tpu.memory_space<vmem_shared>> -> memref<32x128xf32, #tpu.memory_space<vmem_shared>>
    tpu.enqueue_dma source(%dma_start3A_184 : memref<32x128xf32, #tpu.memory_space<vmem_shared>>) target(%dma_start3A_180 : memref<32x128xf32, #tpu.memory_space<vmem>>) target_semaphore(%arg21 : memref<!tpu.dma_semaphore, #tpu.memory_space<semaphore_mem>>)
    %dma_start3A_185 = arith.constant 128 : i32
    %dma_start3A_186 = arith.constant 0 : i32
    %dma_start3A_187 = tpu.memref_slice %arg8[%dma_start3A_185, %dma_start3A_186] : memref<256x128xf32, #tpu.memory_space<vmem>> -> memref<32x128xf32, #tpu.memory_space<vmem>>
    %dma_start3A_188 = arith.constant 128 : i32
    %dma_start3A_189 = arith.constant 0 : i32
    %dma_start3A_190 = tpu.memref_slice %arg9[%rem3A_128, %dma_start3A_188, %dma_start3A_189] : memref<4x256x128xf32, #tpu.memory_space<vmem_shared>> -> memref<1x32x128xf32, #tpu.memory_space<vmem_shared>>
    %dma_start3A_191 = tpu.memref_squeeze %dma_start3A_190 : memref<1x32x128xf32, #tpu.memory_space<vmem_shared>> -> memref<32x128xf32, #tpu.memory_space<vmem_shared>>
    %dma_start3A_192 = arith.constant 128 : i32
    %dma_start3A_193 = arith.constant 0 : i32
    %dma_start3A_194 = tpu.memref_slice %arg8[%dma_start3A_192, %dma_start3A_193] : memref<256x128xf32, #tpu.memory_space<vmem>> -> memref<32x128xf32, #tpu.memory_space<vmem>>
    %dma_start3A_195 = arith.constant 128 : i32
    %dma_start3A_196 = arith.constant 0 : i32
    %dma_start3A_197 = tpu.memref_slice %arg9[%rem3A_128, %dma_start3A_195, %dma_start3A_196] : memref<4x256x128xf32, #tpu.memory_space<vmem_shared>> -> memref<1x32x128xf32, #tpu.memory_space<vmem_shared>>
    %dma_start3A_198 = tpu.memref_squeeze %dma_start3A_197 : memref<1x32x128xf32, #tpu.memory_space<vmem_shared>> -> memref<32x128xf32, #tpu.memory_space<vmem_shared>>
    tpu.enqueue_dma source(%dma_start3A_198 : memref<32x128xf32, #tpu.memory_space<vmem_shared>>) target(%dma_start3A_194 : memref<32x128xf32, #tpu.memory_space<vmem>>) target_semaphore(%arg22 : memref<!tpu.dma_semaphore, #tpu.memory_space<semaphore_mem>>)
    %dma_start3A_199 = arith.constant 160 : i32
    %dma_start3A_200 = arith.constant 0 : i32
    %dma_start3A_201 = tpu.memref_slice %arg8[%dma_start3A_199, %dma_start3A_200] : memref<256x128xf32, #tpu.memory_space<vmem>> -> memref<32x128xf32, #tpu.memory_space<vmem>>
    %dma_start3A_202 = arith.constant 160 : i32
    %dma_start3A_203 = arith.constant 0 : i32
    %dma_start3A_204 = tpu.memref_slice %arg9[%rem3A_128, %dma_start3A_202, %dma_start3A_203] : memref<4x256x128xf32, #tpu.memory_space<vmem_shared>> -> memref<1x32x128xf32, #tpu.memory_space<vmem_shared>>
    %dma_start3A_205 = tpu.memref_squeeze %dma_start3A_204 : memref<1x32x128xf32, #tpu.memory_space<vmem_shared>> -> memref<32x128xf32, #tpu.memory_space<vmem_shared>>
    %dma_start3A_206 = arith.constant 160 : i32
    %dma_start3A_207 = arith.constant 0 : i32
    %dma_start3A_208 = tpu.memref_slice %arg8[%dma_start3A_206, %dma_start3A_207] : memref<256x128xf32, #tpu.memory_space<vmem>> -> memref<32x128xf32, #tpu.memory_space<vmem>>
    %dma_start3A_209 = arith.constant 160 : i32
    %dma_start3A_210 = arith.constant 0 : i32
    %dma_start3A_211 = tpu.memref_slice %arg9[%rem3A_128, %dma_start3A_209, %dma_start3A_210] : memref<4x256x128xf32, #tpu.memory_space<vmem_shared>> -> memref<1x32x128xf32, #tpu.memory_space<vmem_shared>>
    %dma_start3A_212 = tpu.memref_squeeze %dma_start3A_211 : memref<1x32x128xf32, #tpu.memory_space<vmem_shared>> -> memref<32x128xf32, #tpu.memory_space<vmem_shared>>
    tpu.enqueue_dma source(%dma_start3A_212 : memref<32x128xf32, #tpu.memory_space<vmem_shared>>) target(%dma_start3A_208 : memref<32x128xf32, #tpu.memory_space<vmem>>) target_semaphore(%arg23 : memref<!tpu.dma_semaphore, #tpu.memory_space<semaphore_mem>>)
    %dma_start3A_213 = arith.constant 192 : i32
    %dma_start3A_214 = arith.constant 0 : i32
    %dma_start3A_215 = tpu.memref_slice %arg8[%dma_start3A_213, %dma_start3A_214] : memref<256x128xf32, #tpu.memory_space<vmem>> -> memref<32x128xf32, #tpu.memory_space<vmem>>
    %dma_start3A_216 = arith.constant 192 : i32
    %dma_start3A_217 = arith.constant 0 : i32
    %dma_start3A_218 = tpu.memref_slice %arg9[%rem3A_128, %dma_start3A_216, %dma_start3A_217] : memref<4x256x128xf32, #tpu.memory_space<vmem_shared>> -> memref<1x32x128xf32, #tpu.memory_space<vmem_shared>>
    %dma_start3A_219 = tpu.memref_squeeze %dma_start3A_218 : memref<1x32x128xf32, #tpu.memory_space<vmem_shared>> -> memref<32x128xf32, #tpu.memory_space<vmem_shared>>
    %dma_start3A_220 = arith.constant 192 : i32
    %dma_start3A_221 = arith.constant 0 : i32
    %dma_start3A_222 = tpu.memref_slice %arg8[%dma_start3A_220, %dma_start3A_221] : memref<256x128xf32, #tpu.memory_space<vmem>> -> memref<32x128xf32, #tpu.memory_space<vmem>>
    %dma_start3A_223 = arith.constant 192 : i32
    %dma_start3A_224 = arith.constant 0 : i32
    %dma_start3A_225 = tpu.memref_slice %arg9[%rem3A_128, %dma_start3A_223, %dma_start3A_224] : memref<4x256x128xf32, #tpu.memory_space<vmem_shared>> -> memref<1x32x128xf32, #tpu.memory_space<vmem_shared>>
    %dma_start3A_226 = tpu.memref_squeeze %dma_start3A_225 : memref<1x32x128xf32, #tpu.memory_space<vmem_shared>> -> memref<32x128xf32, #tpu.memory_space<vmem_shared>>
    tpu.enqueue_dma source(%dma_start3A_226 : memref<32x128xf32, #tpu.memory_space<vmem_shared>>) target(%dma_start3A_222 : memref<32x128xf32, #tpu.memory_space<vmem>>) target_semaphore(%arg24 : memref<!tpu.dma_semaphore, #tpu.memory_space<semaphore_mem>>)
    %dma_start3A_227 = arith.constant 224 : i32
    %dma_start3A_228 = arith.constant 0 : i32
    %dma_start3A_229 = tpu.memref_slice %arg8[%dma_start3A_227, %dma_start3A_228] : memref<256x128xf32, #tpu.memory_space<vmem>> -> memref<32x128xf32, #tpu.memory_space<vmem>>
    %dma_start3A_230 = arith.constant 224 : i32
    %dma_start3A_231 = arith.constant 0 : i32
    %dma_start3A_232 = tpu.memref_slice %arg9[%rem3A_128, %dma_start3A_230, %dma_start3A_231] : memref<4x256x128xf32, #tpu.memory_space<vmem_shared>> -> memref<1x32x128xf32, #tpu.memory_space<vmem_shared>>
    %dma_start3A_233 = tpu.memref_squeeze %dma_start3A_232 : memref<1x32x128xf32, #tpu.memory_space<vmem_shared>> -> memref<32x128xf32, #tpu.memory_space<vmem_shared>>
    %dma_start3A_234 = arith.constant 224 : i32
    %dma_start3A_235 = arith.constant 0 : i32
    %dma_start3A_236 = tpu.memref_slice %arg8[%dma_start3A_234, %dma_start3A_235] : memref<256x128xf32, #tpu.memory_space<vmem>> -> memref<32x128xf32, #tpu.memory_space<vmem>>
    %dma_start3A_237 = arith.constant 224 : i32
    %dma_start3A_238 = arith.constant 0 : i32
    %dma_start3A_239 = tpu.memref_slice %arg9[%rem3A_128, %dma_start3A_237, %dma_start3A_238] : memref<4x256x128xf32, #tpu.memory_space<vmem_shared>> -> memref<1x32x128xf32, #tpu.memory_space<vmem_shared>>
    %dma_start3A_240 = tpu.memref_squeeze %dma_start3A_239 : memref<1x32x128xf32, #tpu.memory_space<vmem_shared>> -> memref<32x128xf32, #tpu.memory_space<vmem_shared>>
    tpu.enqueue_dma source(%dma_start3A_240 : memref<32x128xf32, #tpu.memory_space<vmem_shared>>) target(%dma_start3A_236 : memref<32x128xf32, #tpu.memory_space<vmem>>) target_semaphore(%arg25 : memref<!tpu.dma_semaphore, #tpu.memory_space<semaphore_mem>>)
    %dma_wait3A_241 = arith.constant 0 : i32
    %dma_wait3A_242 = arith.constant 0 : i32
    %dma_wait3A_243 = tpu.memref_slice %arg7[%dma_wait3A_241, %dma_wait3A_242] : memref<256x128xf32, #tpu.memory_space<vmem>> -> memref<32x128xf32, #tpu.memory_space<vmem>>
    %dma_wait3A_244 = arith.constant 0 : i32
    %dma_wait3A_245 = tpu.memref_slice %arg6[%dma_wait3A_244] : memref<256xi32, #tpu.memory_space<vmem>> -> memref<32xi32, #tpu.memory_space<vmem>>
    %dma_wait3A_246 = arith.constant 0 : i32
    %dma_wait3A_247 = arith.constant 0 : i32
    %dma_wait3A_248 = tpu.memref_slice %arg3[%dma_wait3A_246, %dma_wait3A_247] : memref<1000000x128xf32, #tpu.memory_space<hbm>> -> memref<1000000x128xf32, #tpu.memory_space<hbm>>
    tpu.wait_indirect_dma semaphore(%arg10 : memref<!tpu.dma_semaphore, #tpu.memory_space<semaphore_mem>>) src(%dma_wait3A_248 : memref<1000000x128xf32, #tpu.memory_space<hbm>>) dst(%dma_wait3A_243 : memref<32x128xf32, #tpu.memory_space<vmem>>)
    %dma_wait3A_249 = arith.constant 0 : i32
    %dma_wait3A_250 = arith.constant 0 : i32
    %dma_wait3A_251 = tpu.memref_slice %arg8[%dma_wait3A_249, %dma_wait3A_250] : memref<256x128xf32, #tpu.memory_space<vmem>> -> memref<32x128xf32, #tpu.memory_space<vmem>>
    %dma_wait3A_252 = arith.constant 0 : i32
    %dma_wait3A_253 = arith.constant 0 : i32
    %dma_wait3A_254 = tpu.memref_slice %arg9[%rem3A_128, %dma_wait3A_252, %dma_wait3A_253] : memref<4x256x128xf32, #tpu.memory_space<vmem_shared>> -> memref<1x32x128xf32, #tpu.memory_space<vmem_shared>>
    %dma_wait3A_255 = tpu.memref_squeeze %dma_wait3A_254 : memref<1x32x128xf32, #tpu.memory_space<vmem_shared>> -> memref<32x128xf32, #tpu.memory_space<vmem_shared>>
    %dma_wait3A_256 = arith.constant 0 : i32
    %dma_wait3A_257 = arith.constant 0 : i32
    %dma_wait3A_258 = tpu.memref_slice %arg8[%dma_wait3A_256, %dma_wait3A_257] : memref<256x128xf32, #tpu.memory_space<vmem>> -> memref<32x128xf32, #tpu.memory_space<vmem>>
    %dma_wait3A_259 = arith.constant 0 : i32
    %dma_wait3A_260 = arith.constant 0 : i32
    %dma_wait3A_261 = tpu.memref_slice %arg9[%rem3A_128, %dma_wait3A_259, %dma_wait3A_260] : memref<4x256x128xf32, #tpu.memory_space<vmem_shared>> -> memref<1x32x128xf32, #tpu.memory_space<vmem_shared>>
    %dma_wait3A_262 = tpu.memref_squeeze %dma_wait3A_261 : memref<1x32x128xf32, #tpu.memory_space<vmem_shared>> -> memref<32x128xf32, #tpu.memory_space<vmem_shared>>
    tpu.wait_dma2 semaphore(%arg18 : memref<!tpu.dma_semaphore, #tpu.memory_space<semaphore_mem>>) src(%dma_wait3A_262 : memref<32x128xf32, #tpu.memory_space<vmem_shared>>) dst(%dma_wait3A_258 : memref<32x128xf32, #tpu.memory_space<vmem>>)
    %scan3A = arith.constant 0 : i32
    %scan3A_263 = arith.constant 0 : i32
    %scan3A_264 = arith.constant 32 : i32
    %scan3A_265 = arith.addi %scan3A_263, %scan3A_264 : i32
    %scan3A_266 = arith.constant 1 : i32
    scf.for %scan3A_672 = %scan3A_263 to %scan3A_265 step %scan3A_266  : i32 {
      %get3A = arith.index_cast %scan3A_672 : i32 to index
      %get3A_673 = arith.constant 0 : index
      %get3A_674 = tpu.vector_load %arg7[%get3A, %get3A_673] {strides = array<i32>} : memref<256x128xf32, #tpu.memory_space<vmem>>, vector<1x16xf32>,
      %get3A_675 = vector.shape_cast %get3A_674 : vector<1x16xf32> to vector<16xf32>
      %swap3A = arith.index_cast %scan3A_672 : i32 to index
      %swap3A_676 = arith.constant 0 : index
      %swap3A_677 = tpu.vector_load %arg8[%swap3A, %swap3A_676] {strides = array<i32>} : memref<256x128xf32, #tpu.memory_space<vmem>>, vector<1x16xf32>,
      %swap3A_678 = vector.shape_cast %swap3A_677 : vector<1x16xf32> to vector<16xf32>
      %swap3A_679 = vector.shape_cast %get3A_675 : vector<16xf32> to vector<1x16xf32>
      tpu.vector_store %arg8[%swap3A, %swap3A_676], %swap3A_679 {add = true, strides = array<i32>} : memref<256x128xf32, #tpu.memory_space<vmem>>, vector<1x16xf32>,
      %get3A_680 = arith.index_cast %scan3A_672 : i32 to index
      %get3A_681 = arith.constant 16 : index
      %get3A_682 = tpu.vector_load %arg7[%get3A_680, %get3A_681] {strides = array<i32>} : memref<256x128xf32, #tpu.memory_space<vmem>>, vector<1x16xf32>,
      %get3A_683 = vector.shape_cast %get3A_682 : vector<1x16xf32> to vector<16xf32>
      %swap3A_684 = arith.index_cast %scan3A_672 : i32 to index
      %swap3A_685 = arith.constant 16 : index
      %swap3A_686 = tpu.vector_load %arg8[%swap3A_684, %swap3A_685] {strides = array<i32>} : memref<256x128xf32, #tpu.memory_space<vmem>>, vector<1x16xf32>,
      %swap3A_687 = vector.shape_cast %swap3A_686 : vector<1x16xf32> to vector<16xf32>
      %swap3A_688 = vector.shape_cast %get3A_683 : vector<16xf32> to vector<1x16xf32>
      tpu.vector_store %arg8[%swap3A_684, %swap3A_685], %swap3A_688 {add = true, strides = array<i32>} : memref<256x128xf32, #tpu.memory_space<vmem>>, vector<1x16xf32>,
      %get3A_689 = arith.index_cast %scan3A_672 : i32 to index
      %get3A_690 = arith.constant 32 : index
      %get3A_691 = tpu.vector_load %arg7[%get3A_689, %get3A_690] {strides = array<i32>} : memref<256x128xf32, #tpu.memory_space<vmem>>, vector<1x16xf32>,
      %get3A_692 = vector.shape_cast %get3A_691 : vector<1x16xf32> to vector<16xf32>
      %swap3A_693 = arith.index_cast %scan3A_672 : i32 to index
      %swap3A_694 = arith.constant 32 : index
      %swap3A_695 = tpu.vector_load %arg8[%swap3A_693, %swap3A_694] {strides = array<i32>} : memref<256x128xf32, #tpu.memory_space<vmem>>, vector<1x16xf32>,
      %swap3A_696 = vector.shape_cast %swap3A_695 : vector<1x16xf32> to vector<16xf32>
      %swap3A_697 = vector.shape_cast %get3A_692 : vector<16xf32> to vector<1x16xf32>
      tpu.vector_store %arg8[%swap3A_693, %swap3A_694], %swap3A_697 {add = true, strides = array<i32>} : memref<256x128xf32, #tpu.memory_space<vmem>>, vector<1x16xf32>,
      %get3A_698 = arith.index_cast %scan3A_672 : i32 to index
      %get3A_699 = arith.constant 48 : index
      %get3A_700 = tpu.vector_load %arg7[%get3A_698, %get3A_699] {strides = array<i32>} : memref<256x128xf32, #tpu.memory_space<vmem>>, vector<1x16xf32>,
      %get3A_701 = vector.shape_cast %get3A_700 : vector<1x16xf32> to vector<16xf32>
      %swap3A_702 = arith.index_cast %scan3A_672 : i32 to index
      %swap3A_703 = arith.constant 48 : index
      %swap3A_704 = tpu.vector_load %arg8[%swap3A_702, %swap3A_703] {strides = array<i32>} : memref<256x128xf32, #tpu.memory_space<vmem>>, vector<1x16xf32>,
      %swap3A_705 = vector.shape_cast %swap3A_704 : vector<1x16xf32> to vector<16xf32>
      %swap3A_706 = vector.shape_cast %get3A_701 : vector<16xf32> to vector<1x16xf32>
      tpu.vector_store %arg8[%swap3A_702, %swap3A_703], %swap3A_706 {add = true, strides = array<i32>} : memref<256x128xf32, #tpu.memory_space<vmem>>, vector<1x16xf32>,
      %get3A_707 = arith.index_cast %scan3A_672 : i32 to index
      %get3A_708 = arith.constant 64 : index
      %get3A_709 = tpu.vector_load %arg7[%get3A_707, %get3A_708] {strides = array<i32>} : memref<256x128xf32, #tpu.memory_space<vmem>>, vector<1x16xf32>,
      %get3A_710 = vector.shape_cast %get3A_709 : vector<1x16xf32> to vector<16xf32>
      %swap3A_711 = arith.index_cast %scan3A_672 : i32 to index
      %swap3A_712 = arith.constant 64 : index
      %swap3A_713 = tpu.vector_load %arg8[%swap3A_711, %swap3A_712] {strides = array<i32>} : memref<256x128xf32, #tpu.memory_space<vmem>>, vector<1x16xf32>,
      %swap3A_714 = vector.shape_cast %swap3A_713 : vector<1x16xf32> to vector<16xf32>
      %swap3A_715 = vector.shape_cast %get3A_710 : vector<16xf32> to vector<1x16xf32>
      tpu.vector_store %arg8[%swap3A_711, %swap3A_712], %swap3A_715 {add = true, strides = array<i32>} : memref<256x128xf32, #tpu.memory_space<vmem>>, vector<1x16xf32>,
      %get3A_716 = arith.index_cast %scan3A_672 : i32 to index
      %get3A_717 = arith.constant 80 : index
      %get3A_718 = tpu.vector_load %arg7[%get3A_716, %get3A_717] {strides = array<i32>} : memref<256x128xf32, #tpu.memory_space<vmem>>, vector<1x16xf32>,
      %get3A_719 = vector.shape_cast %get3A_718 : vector<1x16xf32> to vector<16xf32>
      %swap3A_720 = arith.index_cast %scan3A_672 : i32 to index
      %swap3A_721 = arith.constant 80 : index
      %swap3A_722 = tpu.vector_load %arg8[%swap3A_720, %swap3A_721] {strides = array<i32>} : memref<256x128xf32, #tpu.memory_space<vmem>>, vector<1x16xf32>,
      %swap3A_723 = vector.shape_cast %swap3A_722 : vector<1x16xf32> to vector<16xf32>
      %swap3A_724 = vector.shape_cast %get3A_719 : vector<16xf32> to vector<1x16xf32>
      tpu.vector_store %arg8[%swap3A_720, %swap3A_721], %swap3A_724 {add = true, strides = array<i32>} : memref<256x128xf32, #tpu.memory_space<vmem>>, vector<1x16xf32>,
      %get3A_725 = arith.index_cast %scan3A_672 : i32 to index
      %get3A_726 = arith.constant 96 : index
      %get3A_727 = tpu.vector_load %arg7[%get3A_725, %get3A_726] {strides = array<i32>} : memref<256x128xf32, #tpu.memory_space<vmem>>, vector<1x16xf32>,
      %get3A_728 = vector.shape_cast %get3A_727 : vector<1x16xf32> to vector<16xf32>
      %swap3A_729 = arith.index_cast %scan3A_672 : i32 to index
      %swap3A_730 = arith.constant 96 : index
      %swap3A_731 = tpu.vector_load %arg8[%swap3A_729, %swap3A_730] {strides = array<i32>} : memref<256x128xf32, #tpu.memory_space<vmem>>, vector<1x16xf32>,
      %swap3A_732 = vector.shape_cast %swap3A_731 : vector<1x16xf32> to vector<16xf32>
      %swap3A_733 = vector.shape_cast %get3A_728 : vector<16xf32> to vector<1x16xf32>
      tpu.vector_store %arg8[%swap3A_729, %swap3A_730], %swap3A_733 {add = true, strides = array<i32>} : memref<256x128xf32, #tpu.memory_space<vmem>>, vector<1x16xf32>,
      %get3A_734 = arith.index_cast %scan3A_672 : i32 to index
      %get3A_735 = arith.constant 112 : index
      %get3A_736 = tpu.vector_load %arg7[%get3A_734, %get3A_735] {strides = array<i32>} : memref<256x128xf32, #tpu.memory_space<vmem>>, vector<1x16xf32>,
      %get3A_737 = vector.shape_cast %get3A_736 : vector<1x16xf32> to vector<16xf32>
      %swap3A_738 = arith.index_cast %scan3A_672 : i32 to index
      %swap3A_739 = arith.constant 112 : index
      %swap3A_740 = tpu.vector_load %arg8[%swap3A_738, %swap3A_739] {strides = array<i32>} : memref<256x128xf32, #tpu.memory_space<vmem>>, vector<1x16xf32>,
      %swap3A_741 = vector.shape_cast %swap3A_740 : vector<1x16xf32> to vector<16xf32>
      %swap3A_742 = vector.shape_cast %get3A_737 : vector<16xf32> to vector<1x16xf32>
      tpu.vector_store %arg8[%swap3A_738, %swap3A_739], %swap3A_742 {add = true, strides = array<i32>} : memref<256x128xf32, #tpu.memory_space<vmem>>, vector<1x16xf32>,
    }
    %scan3A_267 = arith.constant 32 : i32
    %add3A_268 = arith.constant 0 : i32
    %add3A_269 = arith.addi %rem3A_20, %add3A_268 : i32
    %dma_start3A_270 = arith.constant 0 : i32
    %dma_start3A_271 = arith.constant 0 : i32
    %dma_start3A_272 = tpu.memref_slice %arg8[%dma_start3A_270, %dma_start3A_271] : memref<256x128xf32, #tpu.memory_space<vmem>> -> memref<32x128xf32, #tpu.memory_space<vmem>>
    %dma_start3A_273 = arith.constant 0 : i32
    %dma_start3A_274 = tpu.memref_slice %arg5[%select_n3A, %add3A_269, %dma_start3A_273] : memref<4x2048x128xf32, #tpu.memory_space<hbm>> -> memref<1x32x128xf32, #tpu.memory_space<hbm>>
    %dma_start3A_275 = tpu.memref_squeeze %dma_start3A_274 : memref<1x32x128xf32, #tpu.memory_space<hbm>> -> memref<32x128xf32, #tpu.memory_space<hbm>>
    %dma_start3A_276 = arith.constant 0 : i32
    %dma_start3A_277 = tpu.memref_slice %arg5[%select_n3A, %add3A_269, %dma_start3A_276] : memref<4x2048x128xf32, #tpu.memory_space<hbm>> -> memref<1x32x128xf32, #tpu.memory_space<hbm>>
    %dma_start3A_278 = tpu.memref_squeeze %dma_start3A_277 : memref<1x32x128xf32, #tpu.memory_space<hbm>> -> memref<32x128xf32, #tpu.memory_space<hbm>>
    %dma_start3A_279 = arith.constant 0 : i32
    %dma_start3A_280 = arith.constant 0 : i32
    %dma_start3A_281 = tpu.memref_slice %arg8[%dma_start3A_279, %dma_start3A_280] : memref<256x128xf32, #tpu.memory_space<vmem>> -> memref<32x128xf32, #tpu.memory_space<vmem>>
    tpu.enqueue_dma source(%dma_start3A_281 : memref<32x128xf32, #tpu.memory_space<vmem>>) target(%dma_start3A_278 : memref<32x128xf32, #tpu.memory_space<hbm>>) target_semaphore(%arg26 : memref<!tpu.dma_semaphore, #tpu.memory_space<semaphore_mem>>)
    %dma_wait3A_282 = arith.constant 32 : i32
    %dma_wait3A_283 = arith.constant 0 : i32
    %dma_wait3A_284 = tpu.memref_slice %arg7[%dma_wait3A_282, %dma_wait3A_283] : memref<256x128xf32, #tpu.memory_space<vmem>> -> memref<32x128xf32, #tpu.memory_space<vmem>>
    %dma_wait3A_285 = arith.constant 32 : i32
    %dma_wait3A_286 = tpu.memref_slice %arg6[%dma_wait3A_285] : memref<256xi32, #tpu.memory_space<vmem>> -> memref<32xi32, #tpu.memory_space<vmem>>
    %dma_wait3A_287 = arith.constant 0 : i32
    %dma_wait3A_288 = arith.constant 0 : i32
    %dma_wait3A_289 = tpu.memref_slice %arg3[%dma_wait3A_287, %dma_wait3A_288] : memref<1000000x128xf32, #tpu.memory_space<hbm>> -> memref<1000000x128xf32, #tpu.memory_space<hbm>>
    tpu.wait_indirect_dma semaphore(%arg11 : memref<!tpu.dma_semaphore, #tpu.memory_space<semaphore_mem>>) src(%dma_wait3A_289 : memref<1000000x128xf32, #tpu.memory_space<hbm>>) dst(%dma_wait3A_284 : memref<32x128xf32, #tpu.memory_space<vmem>>)
    %dma_wait3A_290 = arith.constant 32 : i32
    %dma_wait3A_291 = arith.constant 0 : i32
    %dma_wait3A_292 = tpu.memref_slice %arg8[%dma_wait3A_290, %dma_wait3A_291] : memref<256x128xf32, #tpu.memory_space<vmem>> -> memref<32x128xf32, #tpu.memory_space<vmem>>
    %dma_wait3A_293 = arith.constant 32 : i32
    %dma_wait3A_294 = arith.constant 0 : i32
    %dma_wait3A_295 = tpu.memref_slice %arg9[%rem3A_128, %dma_wait3A_293, %dma_wait3A_294] : memref<4x256x128xf32, #tpu.memory_space<vmem_shared>> -> memref<1x32x128xf32, #tpu.memory_space<vmem_shared>>
    %dma_wait3A_296 = tpu.memref_squeeze %dma_wait3A_295 : memref<1x32x128xf32, #tpu.memory_space<vmem_shared>> -> memref<32x128xf32, #tpu.memory_space<vmem_shared>>
    %dma_wait3A_297 = arith.constant 32 : i32
    %dma_wait3A_298 = arith.constant 0 : i32
    %dma_wait3A_299 = tpu.memref_slice %arg8[%dma_wait3A_297, %dma_wait3A_298] : memref<256x128xf32, #tpu.memory_space<vmem>> -> memref<32x128xf32, #tpu.memory_space<vmem>>
    %dma_wait3A_300 = arith.constant 32 : i32
    %dma_wait3A_301 = arith.constant 0 : i32
    %dma_wait3A_302 = tpu.memref_slice %arg9[%rem3A_128, %dma_wait3A_300, %dma_wait3A_301] : memref<4x256x128xf32, #tpu.memory_space<vmem_shared>> -> memref<1x32x128xf32, #tpu.memory_space<vmem_shared>>
    %dma_wait3A_303 = tpu.memref_squeeze %dma_wait3A_302 : memref<1x32x128xf32, #tpu.memory_space<vmem_shared>> -> memref<32x128xf32, #tpu.memory_space<vmem_shared>>
    tpu.wait_dma2 semaphore(%arg19 : memref<!tpu.dma_semaphore, #tpu.memory_space<semaphore_mem>>) src(%dma_wait3A_303 : memref<32x128xf32, #tpu.memory_space<vmem_shared>>) dst(%dma_wait3A_299 : memref<32x128xf32, #tpu.memory_space<vmem>>)
    %scan3A_304 = arith.constant 0 : i32
    %scan3A_305 = arith.constant 32 : i32
    %scan3A_306 = arith.constant 32 : i32
    %scan3A_307 = arith.addi %scan3A_305, %scan3A_306 : i32
    %scan3A_308 = arith.constant 1 : i32
    scf.for %scan3A_672 = %scan3A_305 to %scan3A_307 step %scan3A_308  : i32 {
      %get3A = arith.index_cast %scan3A_672 : i32 to index
      %get3A_673 = arith.constant 0 : index
      %get3A_674 = tpu.vector_load %arg7[%get3A, %get3A_673] {strides = array<i32>} : memref<256x128xf32, #tpu.memory_space<vmem>>, vector<1x16xf32>,
      %get3A_675 = vector.shape_cast %get3A_674 : vector<1x16xf32> to vector<16xf32>
      %swap3A = arith.index_cast %scan3A_672 : i32 to index
      %swap3A_676 = arith.constant 0 : index
      %swap3A_677 = tpu.vector_load %arg8[%swap3A, %swap3A_676] {strides = array<i32>} : memref<256x128xf32, #tpu.memory_space<vmem>>, vector<1x16xf32>,
      %swap3A_678 = vector.shape_cast %swap3A_677 : vector<1x16xf32> to vector<16xf32>
      %swap3A_679 = vector.shape_cast %get3A_675 : vector<16xf32> to vector<1x16xf32>
      tpu.vector_store %arg8[%swap3A, %swap3A_676], %swap3A_679 {add = true, strides = array<i32>} : memref<256x128xf32, #tpu.memory_space<vmem>>, vector<1x16xf32>,
      %get3A_680 = arith.index_cast %scan3A_672 : i32 to index
      %get3A_681 = arith.constant 16 : index
      %get3A_682 = tpu.vector_load %arg7[%get3A_680, %get3A_681] {strides = array<i32>} : memref<256x128xf32, #tpu.memory_space<vmem>>, vector<1x16xf32>,
      %get3A_683 = vector.shape_cast %get3A_682 : vector<1x16xf32> to vector<16xf32>
      %swap3A_684 = arith.index_cast %scan3A_672 : i32 to index
      %swap3A_685 = arith.constant 16 : index
      %swap3A_686 = tpu.vector_load %arg8[%swap3A_684, %swap3A_685] {strides = array<i32>} : memref<256x128xf32, #tpu.memory_space<vmem>>, vector<1x16xf32>,
      %swap3A_687 = vector.shape_cast %swap3A_686 : vector<1x16xf32> to vector<16xf32>
      %swap3A_688 = vector.shape_cast %get3A_683 : vector<16xf32> to vector<1x16xf32>
      tpu.vector_store %arg8[%swap3A_684, %swap3A_685], %swap3A_688 {add = true, strides = array<i32>} : memref<256x128xf32, #tpu.memory_space<vmem>>, vector<1x16xf32>,
      %get3A_689 = arith.index_cast %scan3A_672 : i32 to index
      %get3A_690 = arith.constant 32 : index
      %get3A_691 = tpu.vector_load %arg7[%get3A_689, %get3A_690] {strides = array<i32>} : memref<256x128xf32, #tpu.memory_space<vmem>>, vector<1x16xf32>,
      %get3A_692 = vector.shape_cast %get3A_691 : vector<1x16xf32> to vector<16xf32>
      %swap3A_693 = arith.index_cast %scan3A_672 : i32 to index
      %swap3A_694 = arith.constant 32 : index
      %swap3A_695 = tpu.vector_load %arg8[%swap3A_693, %swap3A_694] {strides = array<i32>} : memref<256x128xf32, #tpu.memory_space<vmem>>, vector<1x16xf32>,
      %swap3A_696 = vector.shape_cast %swap3A_695 : vector<1x16xf32> to vector<16xf32>
      %swap3A_697 = vector.shape_cast %get3A_692 : vector<16xf32> to vector<1x16xf32>
      tpu.vector_store %arg8[%swap3A_693, %swap3A_694], %swap3A_697 {add = true, strides = array<i32>} : memref<256x128xf32, #tpu.memory_space<vmem>>, vector<1x16xf32>,
      %get3A_698 = arith.index_cast %scan3A_672 : i32 to index
      %get3A_699 = arith.constant 48 : index
      %get3A_700 = tpu.vector_load %arg7[%get3A_698, %get3A_699] {strides = array<i32>} : memref<256x128xf32, #tpu.memory_space<vmem>>, vector<1x16xf32>,
      %get3A_701 = vector.shape_cast %get3A_700 : vector<1x16xf32> to vector<16xf32>
      %swap3A_702 = arith.index_cast %scan3A_672 : i32 to index
      %swap3A_703 = arith.constant 48 : index
      %swap3A_704 = tpu.vector_load %arg8[%swap3A_702, %swap3A_703] {strides = array<i32>} : memref<256x128xf32, #tpu.memory_space<vmem>>, vector<1x16xf32>,
      %swap3A_705 = vector.shape_cast %swap3A_704 : vector<1x16xf32> to vector<16xf32>
      %swap3A_706 = vector.shape_cast %get3A_701 : vector<16xf32> to vector<1x16xf32>
      tpu.vector_store %arg8[%swap3A_702, %swap3A_703], %swap3A_706 {add = true, strides = array<i32>} : memref<256x128xf32, #tpu.memory_space<vmem>>, vector<1x16xf32>,
      %get3A_707 = arith.index_cast %scan3A_672 : i32 to index
      %get3A_708 = arith.constant 64 : index
      %get3A_709 = tpu.vector_load %arg7[%get3A_707, %get3A_708] {strides = array<i32>} : memref<256x128xf32, #tpu.memory_space<vmem>>, vector<1x16xf32>,
      %get3A_710 = vector.shape_cast %get3A_709 : vector<1x16xf32> to vector<16xf32>
      %swap3A_711 = arith.index_cast %scan3A_672 : i32 to index
      %swap3A_712 = arith.constant 64 : index
      %swap3A_713 = tpu.vector_load %arg8[%swap3A_711, %swap3A_712] {strides = array<i32>} : memref<256x128xf32, #tpu.memory_space<vmem>>, vector<1x16xf32>,
      %swap3A_714 = vector.shape_cast %swap3A_713 : vector<1x16xf32> to vector<16xf32>
      %swap3A_715 = vector.shape_cast %get3A_710 : vector<16xf32> to vector<1x16xf32>
      tpu.vector_store %arg8[%swap3A_711, %swap3A_712], %swap3A_715 {add = true, strides = array<i32>} : memref<256x128xf32, #tpu.memory_space<vmem>>, vector<1x16xf32>,
      %get3A_716 = arith.index_cast %scan3A_672 : i32 to index
      %get3A_717 = arith.constant 80 : index
      %get3A_718 = tpu.vector_load %arg7[%get3A_716, %get3A_717] {strides = array<i32>} : memref<256x128xf32, #tpu.memory_space<vmem>>, vector<1x16xf32>,
      %get3A_719 = vector.shape_cast %get3A_718 : vector<1x16xf32> to vector<16xf32>
      %swap3A_720 = arith.index_cast %scan3A_672 : i32 to index
      %swap3A_721 = arith.constant 80 : index
      %swap3A_722 = tpu.vector_load %arg8[%swap3A_720, %swap3A_721] {strides = array<i32>} : memref<256x128xf32, #tpu.memory_space<vmem>>, vector<1x16xf32>,
      %swap3A_723 = vector.shape_cast %swap3A_722 : vector<1x16xf32> to vector<16xf32>
      %swap3A_724 = vector.shape_cast %get3A_719 : vector<16xf32> to vector<1x16xf32>
      tpu.vector_store %arg8[%swap3A_720, %swap3A_721], %swap3A_724 {add = true, strides = array<i32>} : memref<256x128xf32, #tpu.memory_space<vmem>>, vector<1x16xf32>,
      %get3A_725 = arith.index_cast %scan3A_672 : i32 to index
      %get3A_726 = arith.constant 96 : index
      %get3A_727 = tpu.vector_load %arg7[%get3A_725, %get3A_726] {strides = array<i32>} : memref<256x128xf32, #tpu.memory_space<vmem>>, vector<1x16xf32>,
      %get3A_728 = vector.shape_cast %get3A_727 : vector<1x16xf32> to vector<16xf32>
      %swap3A_729 = arith.index_cast %scan3A_672 : i32 to index
      %swap3A_730 = arith.constant 96 : index
      %swap3A_731 = tpu.vector_load %arg8[%swap3A_729, %swap3A_730] {strides = array<i32>} : memref<256x128xf32, #tpu.memory_space<vmem>>, vector<1x16xf32>,
      %swap3A_732 = vector.shape_cast %swap3A_731 : vector<1x16xf32> to vector<16xf32>
      %swap3A_733 = vector.shape_cast %get3A_728 : vector<16xf32> to vector<1x16xf32>
      tpu.vector_store %arg8[%swap3A_729, %swap3A_730], %swap3A_733 {add = true, strides = array<i32>} : memref<256x128xf32, #tpu.memory_space<vmem>>, vector<1x16xf32>,
      %get3A_734 = arith.index_cast %scan3A_672 : i32 to index
      %get3A_735 = arith.constant 112 : index
      %get3A_736 = tpu.vector_load %arg7[%get3A_734, %get3A_735] {strides = array<i32>} : memref<256x128xf32, #tpu.memory_space<vmem>>, vector<1x16xf32>,
      %get3A_737 = vector.shape_cast %get3A_736 : vector<1x16xf32> to vector<16xf32>
      %swap3A_738 = arith.index_cast %scan3A_672 : i32 to index
      %swap3A_739 = arith.constant 112 : index
      %swap3A_740 = tpu.vector_load %arg8[%swap3A_738, %swap3A_739] {strides = array<i32>} : memref<256x128xf32, #tpu.memory_space<vmem>>, vector<1x16xf32>,
      %swap3A_741 = vector.shape_cast %swap3A_740 : vector<1x16xf32> to vector<16xf32>
      %swap3A_742 = vector.shape_cast %get3A_737 : vector<16xf32> to vector<1x16xf32>
      tpu.vector_store %arg8[%swap3A_738, %swap3A_739], %swap3A_742 {add = true, strides = array<i32>} : memref<256x128xf32, #tpu.memory_space<vmem>>, vector<1x16xf32>,
    }
    %scan3A_309 = arith.constant 32 : i32
    %add3A_310 = arith.constant 32 : i32
    %add3A_311 = arith.addi %rem3A_20, %add3A_310 : i32
    %dma_start3A_312 = arith.constant 32 : i32
    %dma_start3A_313 = arith.constant 0 : i32
    %dma_start3A_314 = tpu.memref_slice %arg8[%dma_start3A_312, %dma_start3A_313] : memref<256x128xf32, #tpu.memory_space<vmem>> -> memref<32x128xf32, #tpu.memory_space<vmem>>
    %dma_start3A_315 = arith.constant 0 : i32
    %dma_start3A_316 = tpu.memref_slice %arg5[%select_n3A, %add3A_311, %dma_start3A_315] : memref<4x2048x128xf32, #tpu.memory_space<hbm>> -> memref<1x32x128xf32, #tpu.memory_space<hbm>>
    %dma_start3A_317 = tpu.memref_squeeze %dma_start3A_316 : memref<1x32x128xf32, #tpu.memory_space<hbm>> -> memref<32x128xf32, #tpu.memory_space<hbm>>
    %dma_start3A_318 = arith.constant 0 : i32
    %dma_start3A_319 = tpu.memref_slice %arg5[%select_n3A, %add3A_311, %dma_start3A_318] : memref<4x2048x128xf32, #tpu.memory_space<hbm>> -> memref<1x32x128xf32, #tpu.memory_space<hbm>>
    %dma_start3A_320 = tpu.memref_squeeze %dma_start3A_319 : memref<1x32x128xf32, #tpu.memory_space<hbm>> -> memref<32x128xf32, #tpu.memory_space<hbm>>
    %dma_start3A_321 = arith.constant 32 : i32
    %dma_start3A_322 = arith.constant 0 : i32
    %dma_start3A_323 = tpu.memref_slice %arg8[%dma_start3A_321, %dma_start3A_322] : memref<256x128xf32, #tpu.memory_space<vmem>> -> memref<32x128xf32, #tpu.memory_space<vmem>>
    tpu.enqueue_dma source(%dma_start3A_323 : memref<32x128xf32, #tpu.memory_space<vmem>>) target(%dma_start3A_320 : memref<32x128xf32, #tpu.memory_space<hbm>>) target_semaphore(%arg27 : memref<!tpu.dma_semaphore, #tpu.memory_space<semaphore_mem>>)
    %dma_wait3A_324 = arith.constant 64 : i32
    %dma_wait3A_325 = arith.constant 0 : i32
    %dma_wait3A_326 = tpu.memref_slice %arg7[%dma_wait3A_324, %dma_wait3A_325] : memref<256x128xf32, #tpu.memory_space<vmem>> -> memref<32x128xf32, #tpu.memory_space<vmem>>
    %dma_wait3A_327 = arith.constant 64 : i32
    %dma_wait3A_328 = tpu.memref_slice %arg6[%dma_wait3A_327] : memref<256xi32, #tpu.memory_space<vmem>> -> memref<32xi32, #tpu.memory_space<vmem>>
    %dma_wait3A_329 = arith.constant 0 : i32
    %dma_wait3A_330 = arith.constant 0 : i32
    %dma_wait3A_331 = tpu.memref_slice %arg3[%dma_wait3A_329, %dma_wait3A_330] : memref<1000000x128xf32, #tpu.memory_space<hbm>> -> memref<1000000x128xf32, #tpu.memory_space<hbm>>
    tpu.wait_indirect_dma semaphore(%arg12 : memref<!tpu.dma_semaphore, #tpu.memory_space<semaphore_mem>>) src(%dma_wait3A_331 : memref<1000000x128xf32, #tpu.memory_space<hbm>>) dst(%dma_wait3A_326 : memref<32x128xf32, #tpu.memory_space<vmem>>)
    %dma_wait3A_332 = arith.constant 64 : i32
    %dma_wait3A_333 = arith.constant 0 : i32
    %dma_wait3A_334 = tpu.memref_slice %arg8[%dma_wait3A_332, %dma_wait3A_333] : memref<256x128xf32, #tpu.memory_space<vmem>> -> memref<32x128xf32, #tpu.memory_space<vmem>>
    %dma_wait3A_335 = arith.constant 64 : i32
    %dma_wait3A_336 = arith.constant 0 : i32
    %dma_wait3A_337 = tpu.memref_slice %arg9[%rem3A_128, %dma_wait3A_335, %dma_wait3A_336] : memref<4x256x128xf32, #tpu.memory_space<vmem_shared>> -> memref<1x32x128xf32, #tpu.memory_space<vmem_shared>>
    %dma_wait3A_338 = tpu.memref_squeeze %dma_wait3A_337 : memref<1x32x128xf32, #tpu.memory_space<vmem_shared>> -> memref<32x128xf32, #tpu.memory_space<vmem_shared>>
    %dma_wait3A_339 = arith.constant 64 : i32
    %dma_wait3A_340 = arith.constant 0 : i32
    %dma_wait3A_341 = tpu.memref_slice %arg8[%dma_wait3A_339, %dma_wait3A_340] : memref<256x128xf32, #tpu.memory_space<vmem>> -> memref<32x128xf32, #tpu.memory_space<vmem>>
    %dma_wait3A_342 = arith.constant 64 : i32
    %dma_wait3A_343 = arith.constant 0 : i32
    %dma_wait3A_344 = tpu.memref_slice %arg9[%rem3A_128, %dma_wait3A_342, %dma_wait3A_343] : memref<4x256x128xf32, #tpu.memory_space<vmem_shared>> -> memref<1x32x128xf32, #tpu.memory_space<vmem_shared>>
    %dma_wait3A_345 = tpu.memref_squeeze %dma_wait3A_344 : memref<1x32x128xf32, #tpu.memory_space<vmem_shared>> -> memref<32x128xf32, #tpu.memory_space<vmem_shared>>
    tpu.wait_dma2 semaphore(%arg20 : memref<!tpu.dma_semaphore, #tpu.memory_space<semaphore_mem>>) src(%dma_wait3A_345 : memref<32x128xf32, #tpu.memory_space<vmem_shared>>) dst(%dma_wait3A_341 : memref<32x128xf32, #tpu.memory_space<vmem>>)
    %scan3A_346 = arith.constant 0 : i32
    %scan3A_347 = arith.constant 64 : i32
    %scan3A_348 = arith.constant 32 : i32
    %scan3A_349 = arith.addi %scan3A_347, %scan3A_348 : i32
    %scan3A_350 = arith.constant 1 : i32
    scf.for %scan3A_672 = %scan3A_347 to %scan3A_349 step %scan3A_350  : i32 {
      %get3A = arith.index_cast %scan3A_672 : i32 to index
      %get3A_673 = arith.constant 0 : index
      %get3A_674 = tpu.vector_load %arg7[%get3A, %get3A_673] {strides = array<i32>} : memref<256x128xf32, #tpu.memory_space<vmem>>, vector<1x16xf32>,
      %get3A_675 = vector.shape_cast %get3A_674 : vector<1x16xf32> to vector<16xf32>
      %swap3A = arith.index_cast %scan3A_672 : i32 to index
      %swap3A_676 = arith.constant 0 : index
      %swap3A_677 = tpu.vector_load %arg8[%swap3A, %swap3A_676] {strides = array<i32>} : memref<256x128xf32, #tpu.memory_space<vmem>>, vector<1x16xf32>,
      %swap3A_678 = vector.shape_cast %swap3A_677 : vector<1x16xf32> to vector<16xf32>
      %swap3A_679 = vector.shape_cast %get3A_675 : vector<16xf32> to vector<1x16xf32>
      tpu.vector_store %arg8[%swap3A, %swap3A_676], %swap3A_679 {add = true, strides = array<i32>} : memref<256x128xf32, #tpu.memory_space<vmem>>, vector<1x16xf32>,
      %get3A_680 = arith.index_cast %scan3A_672 : i32 to index
      %get3A_681 = arith.constant 16 : index
      %get3A_682 = tpu.vector_load %arg7[%get3A_680, %get3A_681] {strides = array<i32>} : memref<256x128xf32, #tpu.memory_space<vmem>>, vector<1x16xf32>,
      %get3A_683 = vector.shape_cast %get3A_682 : vector<1x16xf32> to vector<16xf32>
      %swap3A_684 = arith.index_cast %scan3A_672 : i32 to index
      %swap3A_685 = arith.constant 16 : index
      %swap3A_686 = tpu.vector_load %arg8[%swap3A_684, %swap3A_685] {strides = array<i32>} : memref<256x128xf32, #tpu.memory_space<vmem>>, vector<1x16xf32>,
      %swap3A_687 = vector.shape_cast %swap3A_686 : vector<1x16xf32> to vector<16xf32>
      %swap3A_688 = vector.shape_cast %get3A_683 : vector<16xf32> to vector<1x16xf32>
      tpu.vector_store %arg8[%swap3A_684, %swap3A_685], %swap3A_688 {add = true, strides = array<i32>} : memref<256x128xf32, #tpu.memory_space<vmem>>, vector<1x16xf32>,
      %get3A_689 = arith.index_cast %scan3A_672 : i32 to index
      %get3A_690 = arith.constant 32 : index
      %get3A_691 = tpu.vector_load %arg7[%get3A_689, %get3A_690] {strides = array<i32>} : memref<256x128xf32, #tpu.memory_space<vmem>>, vector<1x16xf32>,
      %get3A_692 = vector.shape_cast %get3A_691 : vector<1x16xf32> to vector<16xf32>
      %swap3A_693 = arith.index_cast %scan3A_672 : i32 to index
      %swap3A_694 = arith.constant 32 : index
      %swap3A_695 = tpu.vector_load %arg8[%swap3A_693, %swap3A_694] {strides = array<i32>} : memref<256x128xf32, #tpu.memory_space<vmem>>, vector<1x16xf32>,
      %swap3A_696 = vector.shape_cast %swap3A_695 : vector<1x16xf32> to vector<16xf32>
      %swap3A_697 = vector.shape_cast %get3A_692 : vector<16xf32> to vector<1x16xf32>
      tpu.vector_store %arg8[%swap3A_693, %swap3A_694], %swap3A_697 {add = true, strides = array<i32>} : memref<256x128xf32, #tpu.memory_space<vmem>>, vector<1x16xf32>,
      %get3A_698 = arith.index_cast %scan3A_672 : i32 to index
      %get3A_699 = arith.constant 48 : index
      %get3A_700 = tpu.vector_load %arg7[%get3A_698, %get3A_699] {strides = array<i32>} : memref<256x128xf32, #tpu.memory_space<vmem>>, vector<1x16xf32>,
      %get3A_701 = vector.shape_cast %get3A_700 : vector<1x16xf32> to vector<16xf32>
      %swap3A_702 = arith.index_cast %scan3A_672 : i32 to index
      %swap3A_703 = arith.constant 48 : index
      %swap3A_704 = tpu.vector_load %arg8[%swap3A_702, %swap3A_703] {strides = array<i32>} : memref<256x128xf32, #tpu.memory_space<vmem>>, vector<1x16xf32>,
      %swap3A_705 = vector.shape_cast %swap3A_704 : vector<1x16xf32> to vector<16xf32>
      %swap3A_706 = vector.shape_cast %get3A_701 : vector<16xf32> to vector<1x16xf32>
      tpu.vector_store %arg8[%swap3A_702, %swap3A_703], %swap3A_706 {add = true, strides = array<i32>} : memref<256x128xf32, #tpu.memory_space<vmem>>, vector<1x16xf32>,
      %get3A_707 = arith.index_cast %scan3A_672 : i32 to index
      %get3A_708 = arith.constant 64 : index
      %get3A_709 = tpu.vector_load %arg7[%get3A_707, %get3A_708] {strides = array<i32>} : memref<256x128xf32, #tpu.memory_space<vmem>>, vector<1x16xf32>,
      %get3A_710 = vector.shape_cast %get3A_709 : vector<1x16xf32> to vector<16xf32>
      %swap3A_711 = arith.index_cast %scan3A_672 : i32 to index
      %swap3A_712 = arith.constant 64 : index
      %swap3A_713 = tpu.vector_load %arg8[%swap3A_711, %swap3A_712] {strides = array<i32>} : memref<256x128xf32, #tpu.memory_space<vmem>>, vector<1x16xf32>,
      %swap3A_714 = vector.shape_cast %swap3A_713 : vector<1x16xf32> to vector<16xf32>
      %swap3A_715 = vector.shape_cast %get3A_710 : vector<16xf32> to vector<1x16xf32>
      tpu.vector_store %arg8[%swap3A_711, %swap3A_712], %swap3A_715 {add = true, strides = array<i32>} : memref<256x128xf32, #tpu.memory_space<vmem>>, vector<1x16xf32>,
      %get3A_716 = arith.index_cast %scan3A_672 : i32 to index
      %get3A_717 = arith.constant 80 : index
      %get3A_718 = tpu.vector_load %arg7[%get3A_716, %get3A_717] {strides = array<i32>} : memref<256x128xf32, #tpu.memory_space<vmem>>, vector<1x16xf32>,
      %get3A_719 = vector.shape_cast %get3A_718 : vector<1x16xf32> to vector<16xf32>
      %swap3A_720 = arith.index_cast %scan3A_672 : i32 to index
      %swap3A_721 = arith.constant 80 : index
      %swap3A_722 = tpu.vector_load %arg8[%swap3A_720, %swap3A_721] {strides = array<i32>} : memref<256x128xf32, #tpu.memory_space<vmem>>, vector<1x16xf32>,
      %swap3A_723 = vector.shape_cast %swap3A_722 : vector<1x16xf32> to vector<16xf32>
      %swap3A_724 = vector.shape_cast %get3A_719 : vector<16xf32> to vector<1x16xf32>
      tpu.vector_store %arg8[%swap3A_720, %swap3A_721], %swap3A_724 {add = true, strides = array<i32>} : memref<256x128xf32, #tpu.memory_space<vmem>>, vector<1x16xf32>,
      %get3A_725 = arith.index_cast %scan3A_672 : i32 to index
      %get3A_726 = arith.constant 96 : index
      %get3A_727 = tpu.vector_load %arg7[%get3A_725, %get3A_726] {strides = array<i32>} : memref<256x128xf32, #tpu.memory_space<vmem>>, vector<1x16xf32>,
      %get3A_728 = vector.shape_cast %get3A_727 : vector<1x16xf32> to vector<16xf32>
      %swap3A_729 = arith.index_cast %scan3A_672 : i32 to index
      %swap3A_730 = arith.constant 96 : index
      %swap3A_731 = tpu.vector_load %arg8[%swap3A_729, %swap3A_730] {strides = array<i32>} : memref<256x128xf32, #tpu.memory_space<vmem>>, vector<1x16xf32>,
      %swap3A_732 = vector.shape_cast %swap3A_731 : vector<1x16xf32> to vector<16xf32>
      %swap3A_733 = vector.shape_cast %get3A_728 : vector<16xf32> to vector<1x16xf32>
      tpu.vector_store %arg8[%swap3A_729, %swap3A_730], %swap3A_733 {add = true, strides = array<i32>} : memref<256x128xf32, #tpu.memory_space<vmem>>, vector<1x16xf32>,
      %get3A_734 = arith.index_cast %scan3A_672 : i32 to index
      %get3A_735 = arith.constant 112 : index
      %get3A_736 = tpu.vector_load %arg7[%get3A_734, %get3A_735] {strides = array<i32>} : memref<256x128xf32, #tpu.memory_space<vmem>>, vector<1x16xf32>,
      %get3A_737 = vector.shape_cast %get3A_736 : vector<1x16xf32> to vector<16xf32>
      %swap3A_738 = arith.index_cast %scan3A_672 : i32 to index
      %swap3A_739 = arith.constant 112 : index
      %swap3A_740 = tpu.vector_load %arg8[%swap3A_738, %swap3A_739] {strides = array<i32>} : memref<256x128xf32, #tpu.memory_space<vmem>>, vector<1x16xf32>,
      %swap3A_741 = vector.shape_cast %swap3A_740 : vector<1x16xf32> to vector<16xf32>
      %swap3A_742 = vector.shape_cast %get3A_737 : vector<16xf32> to vector<1x16xf32>
      tpu.vector_store %arg8[%swap3A_738, %swap3A_739], %swap3A_742 {add = true, strides = array<i32>} : memref<256x128xf32, #tpu.memory_space<vmem>>, vector<1x16xf32>,
    }
    %scan3A_351 = arith.constant 32 : i32
    %add3A_352 = arith.constant 64 : i32
    %add3A_353 = arith.addi %rem3A_20, %add3A_352 : i32
    %dma_start3A_354 = arith.constant 64 : i32
    %dma_start3A_355 = arith.constant 0 : i32
    %dma_start3A_356 = tpu.memref_slice %arg8[%dma_start3A_354, %dma_start3A_355] : memref<256x128xf32, #tpu.memory_space<vmem>> -> memref<32x128xf32, #tpu.memory_space<vmem>>
    %dma_start3A_357 = arith.constant 0 : i32
    %dma_start3A_358 = tpu.memref_slice %arg5[%select_n3A, %add3A_353, %dma_start3A_357] : memref<4x2048x128xf32, #tpu.memory_space<hbm>> -> memref<1x32x128xf32, #tpu.memory_space<hbm>>
    %dma_start3A_359 = tpu.memref_squeeze %dma_start3A_358 : memref<1x32x128xf32, #tpu.memory_space<hbm>> -> memref<32x128xf32, #tpu.memory_space<hbm>>
    %dma_start3A_360 = arith.constant 0 : i32
    %dma_start3A_361 = tpu.memref_slice %arg5[%select_n3A, %add3A_353, %dma_start3A_360] : memref<4x2048x128xf32, #tpu.memory_space<hbm>> -> memref<1x32x128xf32, #tpu.memory_space<hbm>>
    %dma_start3A_362 = tpu.memref_squeeze %dma_start3A_361 : memref<1x32x128xf32, #tpu.memory_space<hbm>> -> memref<32x128xf32, #tpu.memory_space<hbm>>
    %dma_start3A_363 = arith.constant 64 : i32
    %dma_start3A_364 = arith.constant 0 : i32
    %dma_start3A_365 = tpu.memref_slice %arg8[%dma_start3A_363, %dma_start3A_364] : memref<256x128xf32, #tpu.memory_space<vmem>> -> memref<32x128xf32, #tpu.memory_space<vmem>>
    tpu.enqueue_dma source(%dma_start3A_365 : memref<32x128xf32, #tpu.memory_space<vmem>>) target(%dma_start3A_362 : memref<32x128xf32, #tpu.memory_space<hbm>>) target_semaphore(%arg28 : memref<!tpu.dma_semaphore, #tpu.memory_space<semaphore_mem>>)
    %dma_wait3A_366 = arith.constant 96 : i32
    %dma_wait3A_367 = arith.constant 0 : i32
    %dma_wait3A_368 = tpu.memref_slice %arg7[%dma_wait3A_366, %dma_wait3A_367] : memref<256x128xf32, #tpu.memory_space<vmem>> -> memref<32x128xf32, #tpu.memory_space<vmem>>
    %dma_wait3A_369 = arith.constant 96 : i32
    %dma_wait3A_370 = tpu.memref_slice %arg6[%dma_wait3A_369] : memref<256xi32, #tpu.memory_space<vmem>> -> memref<32xi32, #tpu.memory_space<vmem>>
    %dma_wait3A_371 = arith.constant 0 : i32
    %dma_wait3A_372 = arith.constant 0 : i32
    %dma_wait3A_373 = tpu.memref_slice %arg3[%dma_wait3A_371, %dma_wait3A_372] : memref<1000000x128xf32, #tpu.memory_space<hbm>> -> memref<1000000x128xf32, #tpu.memory_space<hbm>>
    tpu.wait_indirect_dma semaphore(%arg13 : memref<!tpu.dma_semaphore, #tpu.memory_space<semaphore_mem>>) src(%dma_wait3A_373 : memref<1000000x128xf32, #tpu.memory_space<hbm>>) dst(%dma_wait3A_368 : memref<32x128xf32, #tpu.memory_space<vmem>>)
    %dma_wait3A_374 = arith.constant 96 : i32
    %dma_wait3A_375 = arith.constant 0 : i32
    %dma_wait3A_376 = tpu.memref_slice %arg8[%dma_wait3A_374, %dma_wait3A_375] : memref<256x128xf32, #tpu.memory_space<vmem>> -> memref<32x128xf32, #tpu.memory_space<vmem>>
    %dma_wait3A_377 = arith.constant 96 : i32
    %dma_wait3A_378 = arith.constant 0 : i32
    %dma_wait3A_379 = tpu.memref_slice %arg9[%rem3A_128, %dma_wait3A_377, %dma_wait3A_378] : memref<4x256x128xf32, #tpu.memory_space<vmem_shared>> -> memref<1x32x128xf32, #tpu.memory_space<vmem_shared>>
    %dma_wait3A_380 = tpu.memref_squeeze %dma_wait3A_379 : memref<1x32x128xf32, #tpu.memory_space<vmem_shared>> -> memref<32x128xf32, #tpu.memory_space<vmem_shared>>
    %dma_wait3A_381 = arith.constant 96 : i32
    %dma_wait3A_382 = arith.constant 0 : i32
    %dma_wait3A_383 = tpu.memref_slice %arg8[%dma_wait3A_381, %dma_wait3A_382] : memref<256x128xf32, #tpu.memory_space<vmem>> -> memref<32x128xf32, #tpu.memory_space<vmem>>
    %dma_wait3A_384 = arith.constant 96 : i32
    %dma_wait3A_385 = arith.constant 0 : i32
    %dma_wait3A_386 = tpu.memref_slice %arg9[%rem3A_128, %dma_wait3A_384, %dma_wait3A_385] : memref<4x256x128xf32, #tpu.memory_space<vmem_shared>> -> memref<1x32x128xf32, #tpu.memory_space<vmem_shared>>
    %dma_wait3A_387 = tpu.memref_squeeze %dma_wait3A_386 : memref<1x32x128xf32, #tpu.memory_space<vmem_shared>> -> memref<32x128xf32, #tpu.memory_space<vmem_shared>>
    tpu.wait_dma2 semaphore(%arg21 : memref<!tpu.dma_semaphore, #tpu.memory_space<semaphore_mem>>) src(%dma_wait3A_387 : memref<32x128xf32, #tpu.memory_space<vmem_shared>>) dst(%dma_wait3A_383 : memref<32x128xf32, #tpu.memory_space<vmem>>)
    %scan3A_388 = arith.constant 0 : i32
    %scan3A_389 = arith.constant 96 : i32
    %scan3A_390 = arith.constant 32 : i32
    %scan3A_391 = arith.addi %scan3A_389, %scan3A_390 : i32
    %scan3A_392 = arith.constant 1 : i32
    scf.for %scan3A_672 = %scan3A_389 to %scan3A_391 step %scan3A_392  : i32 {
      %get3A = arith.index_cast %scan3A_672 : i32 to index
      %get3A_673 = arith.constant 0 : index
      %get3A_674 = tpu.vector_load %arg7[%get3A, %get3A_673] {strides = array<i32>} : memref<256x128xf32, #tpu.memory_space<vmem>>, vector<1x16xf32>,
      %get3A_675 = vector.shape_cast %get3A_674 : vector<1x16xf32> to vector<16xf32>
      %swap3A = arith.index_cast %scan3A_672 : i32 to index
      %swap3A_676 = arith.constant 0 : index
      %swap3A_677 = tpu.vector_load %arg8[%swap3A, %swap3A_676] {strides = array<i32>} : memref<256x128xf32, #tpu.memory_space<vmem>>, vector<1x16xf32>,
      %swap3A_678 = vector.shape_cast %swap3A_677 : vector<1x16xf32> to vector<16xf32>
      %swap3A_679 = vector.shape_cast %get3A_675 : vector<16xf32> to vector<1x16xf32>
      tpu.vector_store %arg8[%swap3A, %swap3A_676], %swap3A_679 {add = true, strides = array<i32>} : memref<256x128xf32, #tpu.memory_space<vmem>>, vector<1x16xf32>,
      %get3A_680 = arith.index_cast %scan3A_672 : i32 to index
      %get3A_681 = arith.constant 16 : index
      %get3A_682 = tpu.vector_load %arg7[%get3A_680, %get3A_681] {strides = array<i32>} : memref<256x128xf32, #tpu.memory_space<vmem>>, vector<1x16xf32>,
      %get3A_683 = vector.shape_cast %get3A_682 : vector<1x16xf32> to vector<16xf32>
      %swap3A_684 = arith.index_cast %scan3A_672 : i32 to index
      %swap3A_685 = arith.constant 16 : index
      %swap3A_686 = tpu.vector_load %arg8[%swap3A_684, %swap3A_685] {strides = array<i32>} : memref<256x128xf32, #tpu.memory_space<vmem>>, vector<1x16xf32>,
      %swap3A_687 = vector.shape_cast %swap3A_686 : vector<1x16xf32> to vector<16xf32>
      %swap3A_688 = vector.shape_cast %get3A_683 : vector<16xf32> to vector<1x16xf32>
      tpu.vector_store %arg8[%swap3A_684, %swap3A_685], %swap3A_688 {add = true, strides = array<i32>} : memref<256x128xf32, #tpu.memory_space<vmem>>, vector<1x16xf32>,
      %get3A_689 = arith.index_cast %scan3A_672 : i32 to index
      %get3A_690 = arith.constant 32 : index
      %get3A_691 = tpu.vector_load %arg7[%get3A_689, %get3A_690] {strides = array<i32>} : memref<256x128xf32, #tpu.memory_space<vmem>>, vector<1x16xf32>,
      %get3A_692 = vector.shape_cast %get3A_691 : vector<1x16xf32> to vector<16xf32>
      %swap3A_693 = arith.index_cast %scan3A_672 : i32 to index
      %swap3A_694 = arith.constant 32 : index
      %swap3A_695 = tpu.vector_load %arg8[%swap3A_693, %swap3A_694] {strides = array<i32>} : memref<256x128xf32, #tpu.memory_space<vmem>>, vector<1x16xf32>,
      %swap3A_696 = vector.shape_cast %swap3A_695 : vector<1x16xf32> to vector<16xf32>
      %swap3A_697 = vector.shape_cast %get3A_692 : vector<16xf32> to vector<1x16xf32>
      tpu.vector_store %arg8[%swap3A_693, %swap3A_694], %swap3A_697 {add = true, strides = array<i32>} : memref<256x128xf32, #tpu.memory_space<vmem>>, vector<1x16xf32>,
      %get3A_698 = arith.index_cast %scan3A_672 : i32 to index
      %get3A_699 = arith.constant 48 : index
      %get3A_700 = tpu.vector_load %arg7[%get3A_698, %get3A_699] {strides = array<i32>} : memref<256x128xf32, #tpu.memory_space<vmem>>, vector<1x16xf32>,
      %get3A_701 = vector.shape_cast %get3A_700 : vector<1x16xf32> to vector<16xf32>
      %swap3A_702 = arith.index_cast %scan3A_672 : i32 to index
      %swap3A_703 = arith.constant 48 : index
      %swap3A_704 = tpu.vector_load %arg8[%swap3A_702, %swap3A_703] {strides = array<i32>} : memref<256x128xf32, #tpu.memory_space<vmem>>, vector<1x16xf32>,
      %swap3A_705 = vector.shape_cast %swap3A_704 : vector<1x16xf32> to vector<16xf32>
      %swap3A_706 = vector.shape_cast %get3A_701 : vector<16xf32> to vector<1x16xf32>
      tpu.vector_store %arg8[%swap3A_702, %swap3A_703], %swap3A_706 {add = true, strides = array<i32>} : memref<256x128xf32, #tpu.memory_space<vmem>>, vector<1x16xf32>,
      %get3A_707 = arith.index_cast %scan3A_672 : i32 to index
      %get3A_708 = arith.constant 64 : index
      %get3A_709 = tpu.vector_load %arg7[%get3A_707, %get3A_708] {strides = array<i32>} : memref<256x128xf32, #tpu.memory_space<vmem>>, vector<1x16xf32>,
      %get3A_710 = vector.shape_cast %get3A_709 : vector<1x16xf32> to vector<16xf32>
      %swap3A_711 = arith.index_cast %scan3A_672 : i32 to index
      %swap3A_712 = arith.constant 64 : index
      %swap3A_713 = tpu.vector_load %arg8[%swap3A_711, %swap3A_712] {strides = array<i32>} : memref<256x128xf32, #tpu.memory_space<vmem>>, vector<1x16xf32>,
      %swap3A_714 = vector.shape_cast %swap3A_713 : vector<1x16xf32> to vector<16xf32>
      %swap3A_715 = vector.shape_cast %get3A_710 : vector<16xf32> to vector<1x16xf32>
      tpu.vector_store %arg8[%swap3A_711, %swap3A_712], %swap3A_715 {add = true, strides = array<i32>} : memref<256x128xf32, #tpu.memory_space<vmem>>, vector<1x16xf32>,
      %get3A_716 = arith.index_cast %scan3A_672 : i32 to index
      %get3A_717 = arith.constant 80 : index
      %get3A_718 = tpu.vector_load %arg7[%get3A_716, %get3A_717] {strides = array<i32>} : memref<256x128xf32, #tpu.memory_space<vmem>>, vector<1x16xf32>,
      %get3A_719 = vector.shape_cast %get3A_718 : vector<1x16xf32> to vector<16xf32>
      %swap3A_720 = arith.index_cast %scan3A_672 : i32 to index
      %swap3A_721 = arith.constant 80 : index
      %swap3A_722 = tpu.vector_load %arg8[%swap3A_720, %swap3A_721] {strides = array<i32>} : memref<256x128xf32, #tpu.memory_space<vmem>>, vector<1x16xf32>,
      %swap3A_723 = vector.shape_cast %swap3A_722 : vector<1x16xf32> to vector<16xf32>
      %swap3A_724 = vector.shape_cast %get3A_719 : vector<16xf32> to vector<1x16xf32>
      tpu.vector_store %arg8[%swap3A_720, %swap3A_721], %swap3A_724 {add = true, strides = array<i32>} : memref<256x128xf32, #tpu.memory_space<vmem>>, vector<1x16xf32>,
      %get3A_725 = arith.index_cast %scan3A_672 : i32 to index
      %get3A_726 = arith.constant 96 : index
      %get3A_727 = tpu.vector_load %arg7[%get3A_725, %get3A_726] {strides = array<i32>} : memref<256x128xf32, #tpu.memory_space<vmem>>, vector<1x16xf32>,
      %get3A_728 = vector.shape_cast %get3A_727 : vector<1x16xf32> to vector<16xf32>
      %swap3A_729 = arith.index_cast %scan3A_672 : i32 to index
      %swap3A_730 = arith.constant 96 : index
      %swap3A_731 = tpu.vector_load %arg8[%swap3A_729, %swap3A_730] {strides = array<i32>} : memref<256x128xf32, #tpu.memory_space<vmem>>, vector<1x16xf32>,
      %swap3A_732 = vector.shape_cast %swap3A_731 : vector<1x16xf32> to vector<16xf32>
      %swap3A_733 = vector.shape_cast %get3A_728 : vector<16xf32> to vector<1x16xf32>
      tpu.vector_store %arg8[%swap3A_729, %swap3A_730], %swap3A_733 {add = true, strides = array<i32>} : memref<256x128xf32, #tpu.memory_space<vmem>>, vector<1x16xf32>,
      %get3A_734 = arith.index_cast %scan3A_672 : i32 to index
      %get3A_735 = arith.constant 112 : index
      %get3A_736 = tpu.vector_load %arg7[%get3A_734, %get3A_735] {strides = array<i32>} : memref<256x128xf32, #tpu.memory_space<vmem>>, vector<1x16xf32>,
      %get3A_737 = vector.shape_cast %get3A_736 : vector<1x16xf32> to vector<16xf32>
      %swap3A_738 = arith.index_cast %scan3A_672 : i32 to index
      %swap3A_739 = arith.constant 112 : index
      %swap3A_740 = tpu.vector_load %arg8[%swap3A_738, %swap3A_739] {strides = array<i32>} : memref<256x128xf32, #tpu.memory_space<vmem>>, vector<1x16xf32>,
      %swap3A_741 = vector.shape_cast %swap3A_740 : vector<1x16xf32> to vector<16xf32>
      %swap3A_742 = vector.shape_cast %get3A_737 : vector<16xf32> to vector<1x16xf32>
      tpu.vector_store %arg8[%swap3A_738, %swap3A_739], %swap3A_742 {add = true, strides = array<i32>} : memref<256x128xf32, #tpu.memory_space<vmem>>, vector<1x16xf32>,
    }
    %scan3A_393 = arith.constant 32 : i32
    %add3A_394 = arith.constant 96 : i32
    %add3A_395 = arith.addi %rem3A_20, %add3A_394 : i32
    %dma_start3A_396 = arith.constant 96 : i32
    %dma_start3A_397 = arith.constant 0 : i32
    %dma_start3A_398 = tpu.memref_slice %arg8[%dma_start3A_396, %dma_start3A_397] : memref<256x128xf32, #tpu.memory_space<vmem>> -> memref<32x128xf32, #tpu.memory_space<vmem>>
    %dma_start3A_399 = arith.constant 0 : i32
    %dma_start3A_400 = tpu.memref_slice %arg5[%select_n3A, %add3A_395, %dma_start3A_399] : memref<4x2048x128xf32, #tpu.memory_space<hbm>> -> memref<1x32x128xf32, #tpu.memory_space<hbm>>
    %dma_start3A_401 = tpu.memref_squeeze %dma_start3A_400 : memref<1x32x128xf32, #tpu.memory_space<hbm>> -> memref<32x128xf32, #tpu.memory_space<hbm>>
    %dma_start3A_402 = arith.constant 0 : i32
    %dma_start3A_403 = tpu.memref_slice %arg5[%select_n3A, %add3A_395, %dma_start3A_402] : memref<4x2048x128xf32, #tpu.memory_space<hbm>> -> memref<1x32x128xf32, #tpu.memory_space<hbm>>
    %dma_start3A_404 = tpu.memref_squeeze %dma_start3A_403 : memref<1x32x128xf32, #tpu.memory_space<hbm>> -> memref<32x128xf32, #tpu.memory_space<hbm>>
    %dma_start3A_405 = arith.constant 96 : i32
    %dma_start3A_406 = arith.constant 0 : i32
    %dma_start3A_407 = tpu.memref_slice %arg8[%dma_start3A_405, %dma_start3A_406] : memref<256x128xf32, #tpu.memory_space<vmem>> -> memref<32x128xf32, #tpu.memory_space<vmem>>
    tpu.enqueue_dma source(%dma_start3A_407 : memref<32x128xf32, #tpu.memory_space<vmem>>) target(%dma_start3A_404 : memref<32x128xf32, #tpu.memory_space<hbm>>) target_semaphore(%arg29 : memref<!tpu.dma_semaphore, #tpu.memory_space<semaphore_mem>>)
    %dma_wait3A_408 = arith.constant 128 : i32
    %dma_wait3A_409 = arith.constant 0 : i32
    %dma_wait3A_410 = tpu.memref_slice %arg7[%dma_wait3A_408, %dma_wait3A_409] : memref<256x128xf32, #tpu.memory_space<vmem>> -> memref<32x128xf32, #tpu.memory_space<vmem>>
    %dma_wait3A_411 = arith.constant 128 : i32
    %dma_wait3A_412 = tpu.memref_slice %arg6[%dma_wait3A_411] : memref<256xi32, #tpu.memory_space<vmem>> -> memref<32xi32, #tpu.memory_space<vmem>>
    %dma_wait3A_413 = arith.constant 0 : i32
    %dma_wait3A_414 = arith.constant 0 : i32
    %dma_wait3A_415 = tpu.memref_slice %arg3[%dma_wait3A_413, %dma_wait3A_414] : memref<1000000x128xf32, #tpu.memory_space<hbm>> -> memref<1000000x128xf32, #tpu.memory_space<hbm>>
    tpu.wait_indirect_dma semaphore(%arg14 : memref<!tpu.dma_semaphore, #tpu.memory_space<semaphore_mem>>) src(%dma_wait3A_415 : memref<1000000x128xf32, #tpu.memory_space<hbm>>) dst(%dma_wait3A_410 : memref<32x128xf32, #tpu.memory_space<vmem>>)
    %dma_wait3A_416 = arith.constant 128 : i32
    %dma_wait3A_417 = arith.constant 0 : i32
    %dma_wait3A_418 = tpu.memref_slice %arg8[%dma_wait3A_416, %dma_wait3A_417] : memref<256x128xf32, #tpu.memory_space<vmem>> -> memref<32x128xf32, #tpu.memory_space<vmem>>
    %dma_wait3A_419 = arith.constant 128 : i32
    %dma_wait3A_420 = arith.constant 0 : i32
    %dma_wait3A_421 = tpu.memref_slice %arg9[%rem3A_128, %dma_wait3A_419, %dma_wait3A_420] : memref<4x256x128xf32, #tpu.memory_space<vmem_shared>> -> memref<1x32x128xf32, #tpu.memory_space<vmem_shared>>
    %dma_wait3A_422 = tpu.memref_squeeze %dma_wait3A_421 : memref<1x32x128xf32, #tpu.memory_space<vmem_shared>> -> memref<32x128xf32, #tpu.memory_space<vmem_shared>>
    %dma_wait3A_423 = arith.constant 128 : i32
    %dma_wait3A_424 = arith.constant 0 : i32
    %dma_wait3A_425 = tpu.memref_slice %arg8[%dma_wait3A_423, %dma_wait3A_424] : memref<256x128xf32, #tpu.memory_space<vmem>> -> memref<32x128xf32, #tpu.memory_space<vmem>>
    %dma_wait3A_426 = arith.constant 128 : i32
    %dma_wait3A_427 = arith.constant 0 : i32
    %dma_wait3A_428 = tpu.memref_slice %arg9[%rem3A_128, %dma_wait3A_426, %dma_wait3A_427] : memref<4x256x128xf32, #tpu.memory_space<vmem_shared>> -> memref<1x32x128xf32, #tpu.memory_space<vmem_shared>>
    %dma_wait3A_429 = tpu.memref_squeeze %dma_wait3A_428 : memref<1x32x128xf32, #tpu.memory_space<vmem_shared>> -> memref<32x128xf32, #tpu.memory_space<vmem_shared>>
    tpu.wait_dma2 semaphore(%arg22 : memref<!tpu.dma_semaphore, #tpu.memory_space<semaphore_mem>>) src(%dma_wait3A_429 : memref<32x128xf32, #tpu.memory_space<vmem_shared>>) dst(%dma_wait3A_425 : memref<32x128xf32, #tpu.memory_space<vmem>>)
    %scan3A_430 = arith.constant 0 : i32
    %scan3A_431 = arith.constant 128 : i32
    %scan3A_432 = arith.constant 32 : i32
    %scan3A_433 = arith.addi %scan3A_431, %scan3A_432 : i32
    %scan3A_434 = arith.constant 1 : i32
    scf.for %scan3A_672 = %scan3A_431 to %scan3A_433 step %scan3A_434  : i32 {
      %get3A = arith.index_cast %scan3A_672 : i32 to index
      %get3A_673 = arith.constant 0 : index
      %get3A_674 = tpu.vector_load %arg7[%get3A, %get3A_673] {strides = array<i32>} : memref<256x128xf32, #tpu.memory_space<vmem>>, vector<1x16xf32>,
      %get3A_675 = vector.shape_cast %get3A_674 : vector<1x16xf32> to vector<16xf32>
      %swap3A = arith.index_cast %scan3A_672 : i32 to index
      %swap3A_676 = arith.constant 0 : index
      %swap3A_677 = tpu.vector_load %arg8[%swap3A, %swap3A_676] {strides = array<i32>} : memref<256x128xf32, #tpu.memory_space<vmem>>, vector<1x16xf32>,
      %swap3A_678 = vector.shape_cast %swap3A_677 : vector<1x16xf32> to vector<16xf32>
      %swap3A_679 = vector.shape_cast %get3A_675 : vector<16xf32> to vector<1x16xf32>
      tpu.vector_store %arg8[%swap3A, %swap3A_676], %swap3A_679 {add = true, strides = array<i32>} : memref<256x128xf32, #tpu.memory_space<vmem>>, vector<1x16xf32>,
      %get3A_680 = arith.index_cast %scan3A_672 : i32 to index
      %get3A_681 = arith.constant 16 : index
      %get3A_682 = tpu.vector_load %arg7[%get3A_680, %get3A_681] {strides = array<i32>} : memref<256x128xf32, #tpu.memory_space<vmem>>, vector<1x16xf32>,
      %get3A_683 = vector.shape_cast %get3A_682 : vector<1x16xf32> to vector<16xf32>
      %swap3A_684 = arith.index_cast %scan3A_672 : i32 to index
      %swap3A_685 = arith.constant 16 : index
      %swap3A_686 = tpu.vector_load %arg8[%swap3A_684, %swap3A_685] {strides = array<i32>} : memref<256x128xf32, #tpu.memory_space<vmem>>, vector<1x16xf32>,
      %swap3A_687 = vector.shape_cast %swap3A_686 : vector<1x16xf32> to vector<16xf32>
      %swap3A_688 = vector.shape_cast %get3A_683 : vector<16xf32> to vector<1x16xf32>
      tpu.vector_store %arg8[%swap3A_684, %swap3A_685], %swap3A_688 {add = true, strides = array<i32>} : memref<256x128xf32, #tpu.memory_space<vmem>>, vector<1x16xf32>,
      %get3A_689 = arith.index_cast %scan3A_672 : i32 to index
      %get3A_690 = arith.constant 32 : index
      %get3A_691 = tpu.vector_load %arg7[%get3A_689, %get3A_690] {strides = array<i32>} : memref<256x128xf32, #tpu.memory_space<vmem>>, vector<1x16xf32>,
      %get3A_692 = vector.shape_cast %get3A_691 : vector<1x16xf32> to vector<16xf32>
      %swap3A_693 = arith.index_cast %scan3A_672 : i32 to index
      %swap3A_694 = arith.constant 32 : index
      %swap3A_695 = tpu.vector_load %arg8[%swap3A_693, %swap3A_694] {strides = array<i32>} : memref<256x128xf32, #tpu.memory_space<vmem>>, vector<1x16xf32>,
      %swap3A_696 = vector.shape_cast %swap3A_695 : vector<1x16xf32> to vector<16xf32>
      %swap3A_697 = vector.shape_cast %get3A_692 : vector<16xf32> to vector<1x16xf32>
      tpu.vector_store %arg8[%swap3A_693, %swap3A_694], %swap3A_697 {add = true, strides = array<i32>} : memref<256x128xf32, #tpu.memory_space<vmem>>, vector<1x16xf32>,
      %get3A_698 = arith.index_cast %scan3A_672 : i32 to index
      %get3A_699 = arith.constant 48 : index
      %get3A_700 = tpu.vector_load %arg7[%get3A_698, %get3A_699] {strides = array<i32>} : memref<256x128xf32, #tpu.memory_space<vmem>>, vector<1x16xf32>,
      %get3A_701 = vector.shape_cast %get3A_700 : vector<1x16xf32> to vector<16xf32>
      %swap3A_702 = arith.index_cast %scan3A_672 : i32 to index
      %swap3A_703 = arith.constant 48 : index
      %swap3A_704 = tpu.vector_load %arg8[%swap3A_702, %swap3A_703] {strides = array<i32>} : memref<256x128xf32, #tpu.memory_space<vmem>>, vector<1x16xf32>,
      %swap3A_705 = vector.shape_cast %swap3A_704 : vector<1x16xf32> to vector<16xf32>
      %swap3A_706 = vector.shape_cast %get3A_701 : vector<16xf32> to vector<1x16xf32>
      tpu.vector_store %arg8[%swap3A_702, %swap3A_703], %swap3A_706 {add = true, strides = array<i32>} : memref<256x128xf32, #tpu.memory_space<vmem>>, vector<1x16xf32>,
      %get3A_707 = arith.index_cast %scan3A_672 : i32 to index
      %get3A_708 = arith.constant 64 : index
      %get3A_709 = tpu.vector_load %arg7[%get3A_707, %get3A_708] {strides = array<i32>} : memref<256x128xf32, #tpu.memory_space<vmem>>, vector<1x16xf32>,
      %get3A_710 = vector.shape_cast %get3A_709 : vector<1x16xf32> to vector<16xf32>
      %swap3A_711 = arith.index_cast %scan3A_672 : i32 to index
      %swap3A_712 = arith.constant 64 : index
      %swap3A_713 = tpu.vector_load %arg8[%swap3A_711, %swap3A_712] {strides = array<i32>} : memref<256x128xf32, #tpu.memory_space<vmem>>, vector<1x16xf32>,
      %swap3A_714 = vector.shape_cast %swap3A_713 : vector<1x16xf32> to vector<16xf32>
      %swap3A_715 = vector.shape_cast %get3A_710 : vector<16xf32> to vector<1x16xf32>
      tpu.vector_store %arg8[%swap3A_711, %swap3A_712], %swap3A_715 {add = true, strides = array<i32>} : memref<256x128xf32, #tpu.memory_space<vmem>>, vector<1x16xf32>,
      %get3A_716 = arith.index_cast %scan3A_672 : i32 to index
      %get3A_717 = arith.constant 80 : index
      %get3A_718 = tpu.vector_load %arg7[%get3A_716, %get3A_717] {strides = array<i32>} : memref<256x128xf32, #tpu.memory_space<vmem>>, vector<1x16xf32>,
      %get3A_719 = vector.shape_cast %get3A_718 : vector<1x16xf32> to vector<16xf32>
      %swap3A_720 = arith.index_cast %scan3A_672 : i32 to index
      %swap3A_721 = arith.constant 80 : index
      %swap3A_722 = tpu.vector_load %arg8[%swap3A_720, %swap3A_721] {strides = array<i32>} : memref<256x128xf32, #tpu.memory_space<vmem>>, vector<1x16xf32>,
      %swap3A_723 = vector.shape_cast %swap3A_722 : vector<1x16xf32> to vector<16xf32>
      %swap3A_724 = vector.shape_cast %get3A_719 : vector<16xf32> to vector<1x16xf32>
      tpu.vector_store %arg8[%swap3A_720, %swap3A_721], %swap3A_724 {add = true, strides = array<i32>} : memref<256x128xf32, #tpu.memory_space<vmem>>, vector<1x16xf32>,
      %get3A_725 = arith.index_cast %scan3A_672 : i32 to index
      %get3A_726 = arith.constant 96 : index
      %get3A_727 = tpu.vector_load %arg7[%get3A_725, %get3A_726] {strides = array<i32>} : memref<256x128xf32, #tpu.memory_space<vmem>>, vector<1x16xf32>,
      %get3A_728 = vector.shape_cast %get3A_727 : vector<1x16xf32> to vector<16xf32>
      %swap3A_729 = arith.index_cast %scan3A_672 : i32 to index
      %swap3A_730 = arith.constant 96 : index
      %swap3A_731 = tpu.vector_load %arg8[%swap3A_729, %swap3A_730] {strides = array<i32>} : memref<256x128xf32, #tpu.memory_space<vmem>>, vector<1x16xf32>,
      %swap3A_732 = vector.shape_cast %swap3A_731 : vector<1x16xf32> to vector<16xf32>
      %swap3A_733 = vector.shape_cast %get3A_728 : vector<16xf32> to vector<1x16xf32>
      tpu.vector_store %arg8[%swap3A_729, %swap3A_730], %swap3A_733 {add = true, strides = array<i32>} : memref<256x128xf32, #tpu.memory_space<vmem>>, vector<1x16xf32>,
      %get3A_734 = arith.index_cast %scan3A_672 : i32 to index
      %get3A_735 = arith.constant 112 : index
      %get3A_736 = tpu.vector_load %arg7[%get3A_734, %get3A_735] {strides = array<i32>} : memref<256x128xf32, #tpu.memory_space<vmem>>, vector<1x16xf32>,
      %get3A_737 = vector.shape_cast %get3A_736 : vector<1x16xf32> to vector<16xf32>
      %swap3A_738 = arith.index_cast %scan3A_672 : i32 to index
      %swap3A_739 = arith.constant 112 : index
      %swap3A_740 = tpu.vector_load %arg8[%swap3A_738, %swap3A_739] {strides = array<i32>} : memref<256x128xf32, #tpu.memory_space<vmem>>, vector<1x16xf32>,
      %swap3A_741 = vector.shape_cast %swap3A_740 : vector<1x16xf32> to vector<16xf32>
      %swap3A_742 = vector.shape_cast %get3A_737 : vector<16xf32> to vector<1x16xf32>
      tpu.vector_store %arg8[%swap3A_738, %swap3A_739], %swap3A_742 {add = true, strides = array<i32>} : memref<256x128xf32, #tpu.memory_space<vmem>>, vector<1x16xf32>,
    }
    %scan3A_435 = arith.constant 32 : i32
    %add3A_436 = arith.constant 128 : i32
    %add3A_437 = arith.addi %rem3A_20, %add3A_436 : i32
    %dma_start3A_438 = arith.constant 128 : i32
    %dma_start3A_439 = arith.constant 0 : i32
    %dma_start3A_440 = tpu.memref_slice %arg8[%dma_start3A_438, %dma_start3A_439] : memref<256x128xf32, #tpu.memory_space<vmem>> -> memref<32x128xf32, #tpu.memory_space<vmem>>
    %dma_start3A_441 = arith.constant 0 : i32
    %dma_start3A_442 = tpu.memref_slice %arg5[%select_n3A, %add3A_437, %dma_start3A_441] : memref<4x2048x128xf32, #tpu.memory_space<hbm>> -> memref<1x32x128xf32, #tpu.memory_space<hbm>>
    %dma_start3A_443 = tpu.memref_squeeze %dma_start3A_442 : memref<1x32x128xf32, #tpu.memory_space<hbm>> -> memref<32x128xf32, #tpu.memory_space<hbm>>
    %dma_start3A_444 = arith.constant 0 : i32
    %dma_start3A_445 = tpu.memref_slice %arg5[%select_n3A, %add3A_437, %dma_start3A_444] : memref<4x2048x128xf32, #tpu.memory_space<hbm>> -> memref<1x32x128xf32, #tpu.memory_space<hbm>>
    %dma_start3A_446 = tpu.memref_squeeze %dma_start3A_445 : memref<1x32x128xf32, #tpu.memory_space<hbm>> -> memref<32x128xf32, #tpu.memory_space<hbm>>
    %dma_start3A_447 = arith.constant 128 : i32
    %dma_start3A_448 = arith.constant 0 : i32
    %dma_start3A_449 = tpu.memref_slice %arg8[%dma_start3A_447, %dma_start3A_448] : memref<256x128xf32, #tpu.memory_space<vmem>> -> memref<32x128xf32, #tpu.memory_space<vmem>>
    tpu.enqueue_dma source(%dma_start3A_449 : memref<32x128xf32, #tpu.memory_space<vmem>>) target(%dma_start3A_446 : memref<32x128xf32, #tpu.memory_space<hbm>>) target_semaphore(%arg30 : memref<!tpu.dma_semaphore, #tpu.memory_space<semaphore_mem>>)
    %dma_wait3A_450 = arith.constant 160 : i32
    %dma_wait3A_451 = arith.constant 0 : i32
    %dma_wait3A_452 = tpu.memref_slice %arg7[%dma_wait3A_450, %dma_wait3A_451] : memref<256x128xf32, #tpu.memory_space<vmem>> -> memref<32x128xf32, #tpu.memory_space<vmem>>
    %dma_wait3A_453 = arith.constant 160 : i32
    %dma_wait3A_454 = tpu.memref_slice %arg6[%dma_wait3A_453] : memref<256xi32, #tpu.memory_space<vmem>> -> memref<32xi32, #tpu.memory_space<vmem>>
    %dma_wait3A_455 = arith.constant 0 : i32
    %dma_wait3A_456 = arith.constant 0 : i32
    %dma_wait3A_457 = tpu.memref_slice %arg3[%dma_wait3A_455, %dma_wait3A_456] : memref<1000000x128xf32, #tpu.memory_space<hbm>> -> memref<1000000x128xf32, #tpu.memory_space<hbm>>
    tpu.wait_indirect_dma semaphore(%arg15 : memref<!tpu.dma_semaphore, #tpu.memory_space<semaphore_mem>>) src(%dma_wait3A_457 : memref<1000000x128xf32, #tpu.memory_space<hbm>>) dst(%dma_wait3A_452 : memref<32x128xf32, #tpu.memory_space<vmem>>)
    %dma_wait3A_458 = arith.constant 160 : i32
    %dma_wait3A_459 = arith.constant 0 : i32
    %dma_wait3A_460 = tpu.memref_slice %arg8[%dma_wait3A_458, %dma_wait3A_459] : memref<256x128xf32, #tpu.memory_space<vmem>> -> memref<32x128xf32, #tpu.memory_space<vmem>>
    %dma_wait3A_461 = arith.constant 160 : i32
    %dma_wait3A_462 = arith.constant 0 : i32
    %dma_wait3A_463 = tpu.memref_slice %arg9[%rem3A_128, %dma_wait3A_461, %dma_wait3A_462] : memref<4x256x128xf32, #tpu.memory_space<vmem_shared>> -> memref<1x32x128xf32, #tpu.memory_space<vmem_shared>>
    %dma_wait3A_464 = tpu.memref_squeeze %dma_wait3A_463 : memref<1x32x128xf32, #tpu.memory_space<vmem_shared>> -> memref<32x128xf32, #tpu.memory_space<vmem_shared>>
    %dma_wait3A_465 = arith.constant 160 : i32
    %dma_wait3A_466 = arith.constant 0 : i32
    %dma_wait3A_467 = tpu.memref_slice %arg8[%dma_wait3A_465, %dma_wait3A_466] : memref<256x128xf32, #tpu.memory_space<vmem>> -> memref<32x128xf32, #tpu.memory_space<vmem>>
    %dma_wait3A_468 = arith.constant 160 : i32
    %dma_wait3A_469 = arith.constant 0 : i32
    %dma_wait3A_470 = tpu.memref_slice %arg9[%rem3A_128, %dma_wait3A_468, %dma_wait3A_469] : memref<4x256x128xf32, #tpu.memory_space<vmem_shared>> -> memref<1x32x128xf32, #tpu.memory_space<vmem_shared>>
    %dma_wait3A_471 = tpu.memref_squeeze %dma_wait3A_470 : memref<1x32x128xf32, #tpu.memory_space<vmem_shared>> -> memref<32x128xf32, #tpu.memory_space<vmem_shared>>
    tpu.wait_dma2 semaphore(%arg23 : memref<!tpu.dma_semaphore, #tpu.memory_space<semaphore_mem>>) src(%dma_wait3A_471 : memref<32x128xf32, #tpu.memory_space<vmem_shared>>) dst(%dma_wait3A_467 : memref<32x128xf32, #tpu.memory_space<vmem>>)
    %scan3A_472 = arith.constant 0 : i32
    %scan3A_473 = arith.constant 160 : i32
    %scan3A_474 = arith.constant 32 : i32
    %scan3A_475 = arith.addi %scan3A_473, %scan3A_474 : i32
    %scan3A_476 = arith.constant 1 : i32
    scf.for %scan3A_672 = %scan3A_473 to %scan3A_475 step %scan3A_476  : i32 {
      %get3A = arith.index_cast %scan3A_672 : i32 to index
      %get3A_673 = arith.constant 0 : index
      %get3A_674 = tpu.vector_load %arg7[%get3A, %get3A_673] {strides = array<i32>} : memref<256x128xf32, #tpu.memory_space<vmem>>, vector<1x16xf32>,
      %get3A_675 = vector.shape_cast %get3A_674 : vector<1x16xf32> to vector<16xf32>
      %swap3A = arith.index_cast %scan3A_672 : i32 to index
      %swap3A_676 = arith.constant 0 : index
      %swap3A_677 = tpu.vector_load %arg8[%swap3A, %swap3A_676] {strides = array<i32>} : memref<256x128xf32, #tpu.memory_space<vmem>>, vector<1x16xf32>,
      %swap3A_678 = vector.shape_cast %swap3A_677 : vector<1x16xf32> to vector<16xf32>
      %swap3A_679 = vector.shape_cast %get3A_675 : vector<16xf32> to vector<1x16xf32>
      tpu.vector_store %arg8[%swap3A, %swap3A_676], %swap3A_679 {add = true, strides = array<i32>} : memref<256x128xf32, #tpu.memory_space<vmem>>, vector<1x16xf32>,
      %get3A_680 = arith.index_cast %scan3A_672 : i32 to index
      %get3A_681 = arith.constant 16 : index
      %get3A_682 = tpu.vector_load %arg7[%get3A_680, %get3A_681] {strides = array<i32>} : memref<256x128xf32, #tpu.memory_space<vmem>>, vector<1x16xf32>,
      %get3A_683 = vector.shape_cast %get3A_682 : vector<1x16xf32> to vector<16xf32>
      %swap3A_684 = arith.index_cast %scan3A_672 : i32 to index
      %swap3A_685 = arith.constant 16 : index
      %swap3A_686 = tpu.vector_load %arg8[%swap3A_684, %swap3A_685] {strides = array<i32>} : memref<256x128xf32, #tpu.memory_space<vmem>>, vector<1x16xf32>,
      %swap3A_687 = vector.shape_cast %swap3A_686 : vector<1x16xf32> to vector<16xf32>
      %swap3A_688 = vector.shape_cast %get3A_683 : vector<16xf32> to vector<1x16xf32>
      tpu.vector_store %arg8[%swap3A_684, %swap3A_685], %swap3A_688 {add = true, strides = array<i32>} : memref<256x128xf32, #tpu.memory_space<vmem>>, vector<1x16xf32>,
      %get3A_689 = arith.index_cast %scan3A_672 : i32 to index
      %get3A_690 = arith.constant 32 : index
      %get3A_691 = tpu.vector_load %arg7[%get3A_689, %get3A_690] {strides = array<i32>} : memref<256x128xf32, #tpu.memory_space<vmem>>, vector<1x16xf32>,
      %get3A_692 = vector.shape_cast %get3A_691 : vector<1x16xf32> to vector<16xf32>
      %swap3A_693 = arith.index_cast %scan3A_672 : i32 to index
      %swap3A_694 = arith.constant 32 : index
      %swap3A_695 = tpu.vector_load %arg8[%swap3A_693, %swap3A_694] {strides = array<i32>} : memref<256x128xf32, #tpu.memory_space<vmem>>, vector<1x16xf32>,
      %swap3A_696 = vector.shape_cast %swap3A_695 : vector<1x16xf32> to vector<16xf32>
      %swap3A_697 = vector.shape_cast %get3A_692 : vector<16xf32> to vector<1x16xf32>
      tpu.vector_store %arg8[%swap3A_693, %swap3A_694], %swap3A_697 {add = true, strides = array<i32>} : memref<256x128xf32, #tpu.memory_space<vmem>>, vector<1x16xf32>,
      %get3A_698 = arith.index_cast %scan3A_672 : i32 to index
      %get3A_699 = arith.constant 48 : index
      %get3A_700 = tpu.vector_load %arg7[%get3A_698, %get3A_699] {strides = array<i32>} : memref<256x128xf32, #tpu.memory_space<vmem>>, vector<1x16xf32>,
      %get3A_701 = vector.shape_cast %get3A_700 : vector<1x16xf32> to vector<16xf32>
      %swap3A_702 = arith.index_cast %scan3A_672 : i32 to index
      %swap3A_703 = arith.constant 48 : index
      %swap3A_704 = tpu.vector_load %arg8[%swap3A_702, %swap3A_703] {strides = array<i32>} : memref<256x128xf32, #tpu.memory_space<vmem>>, vector<1x16xf32>,
      %swap3A_705 = vector.shape_cast %swap3A_704 : vector<1x16xf32> to vector<16xf32>
      %swap3A_706 = vector.shape_cast %get3A_701 : vector<16xf32> to vector<1x16xf32>
      tpu.vector_store %arg8[%swap3A_702, %swap3A_703], %swap3A_706 {add = true, strides = array<i32>} : memref<256x128xf32, #tpu.memory_space<vmem>>, vector<1x16xf32>,
      %get3A_707 = arith.index_cast %scan3A_672 : i32 to index
      %get3A_708 = arith.constant 64 : index
      %get3A_709 = tpu.vector_load %arg7[%get3A_707, %get3A_708] {strides = array<i32>} : memref<256x128xf32, #tpu.memory_space<vmem>>, vector<1x16xf32>,
      %get3A_710 = vector.shape_cast %get3A_709 : vector<1x16xf32> to vector<16xf32>
      %swap3A_711 = arith.index_cast %scan3A_672 : i32 to index
      %swap3A_712 = arith.constant 64 : index
      %swap3A_713 = tpu.vector_load %arg8[%swap3A_711, %swap3A_712] {strides = array<i32>} : memref<256x128xf32, #tpu.memory_space<vmem>>, vector<1x16xf32>,
      %swap3A_714 = vector.shape_cast %swap3A_713 : vector<1x16xf32> to vector<16xf32>
      %swap3A_715 = vector.shape_cast %get3A_710 : vector<16xf32> to vector<1x16xf32>
      tpu.vector_store %arg8[%swap3A_711, %swap3A_712], %swap3A_715 {add = true, strides = array<i32>} : memref<256x128xf32, #tpu.memory_space<vmem>>, vector<1x16xf32>,
      %get3A_716 = arith.index_cast %scan3A_672 : i32 to index
      %get3A_717 = arith.constant 80 : index
      %get3A_718 = tpu.vector_load %arg7[%get3A_716, %get3A_717] {strides = array<i32>} : memref<256x128xf32, #tpu.memory_space<vmem>>, vector<1x16xf32>,
      %get3A_719 = vector.shape_cast %get3A_718 : vector<1x16xf32> to vector<16xf32>
      %swap3A_720 = arith.index_cast %scan3A_672 : i32 to index
      %swap3A_721 = arith.constant 80 : index
      %swap3A_722 = tpu.vector_load %arg8[%swap3A_720, %swap3A_721] {strides = array<i32>} : memref<256x128xf32, #tpu.memory_space<vmem>>, vector<1x16xf32>,
      %swap3A_723 = vector.shape_cast %swap3A_722 : vector<1x16xf32> to vector<16xf32>
      %swap3A_724 = vector.shape_cast %get3A_719 : vector<16xf32> to vector<1x16xf32>
      tpu.vector_store %arg8[%swap3A_720, %swap3A_721], %swap3A_724 {add = true, strides = array<i32>} : memref<256x128xf32, #tpu.memory_space<vmem>>, vector<1x16xf32>,
      %get3A_725 = arith.index_cast %scan3A_672 : i32 to index
      %get3A_726 = arith.constant 96 : index
      %get3A_727 = tpu.vector_load %arg7[%get3A_725, %get3A_726] {strides = array<i32>} : memref<256x128xf32, #tpu.memory_space<vmem>>, vector<1x16xf32>,
      %get3A_728 = vector.shape_cast %get3A_727 : vector<1x16xf32> to vector<16xf32>
      %swap3A_729 = arith.index_cast %scan3A_672 : i32 to index
      %swap3A_730 = arith.constant 96 : index
      %swap3A_731 = tpu.vector_load %arg8[%swap3A_729, %swap3A_730] {strides = array<i32>} : memref<256x128xf32, #tpu.memory_space<vmem>>, vector<1x16xf32>,
      %swap3A_732 = vector.shape_cast %swap3A_731 : vector<1x16xf32> to vector<16xf32>
      %swap3A_733 = vector.shape_cast %get3A_728 : vector<16xf32> to vector<1x16xf32>
      tpu.vector_store %arg8[%swap3A_729, %swap3A_730], %swap3A_733 {add = true, strides = array<i32>} : memref<256x128xf32, #tpu.memory_space<vmem>>, vector<1x16xf32>,
      %get3A_734 = arith.index_cast %scan3A_672 : i32 to index
      %get3A_735 = arith.constant 112 : index
      %get3A_736 = tpu.vector_load %arg7[%get3A_734, %get3A_735] {strides = array<i32>} : memref<256x128xf32, #tpu.memory_space<vmem>>, vector<1x16xf32>,
      %get3A_737 = vector.shape_cast %get3A_736 : vector<1x16xf32> to vector<16xf32>
      %swap3A_738 = arith.index_cast %scan3A_672 : i32 to index
      %swap3A_739 = arith.constant 112 : index
      %swap3A_740 = tpu.vector_load %arg8[%swap3A_738, %swap3A_739] {strides = array<i32>} : memref<256x128xf32, #tpu.memory_space<vmem>>, vector<1x16xf32>,
      %swap3A_741 = vector.shape_cast %swap3A_740 : vector<1x16xf32> to vector<16xf32>
      %swap3A_742 = vector.shape_cast %get3A_737 : vector<16xf32> to vector<1x16xf32>
      tpu.vector_store %arg8[%swap3A_738, %swap3A_739], %swap3A_742 {add = true, strides = array<i32>} : memref<256x128xf32, #tpu.memory_space<vmem>>, vector<1x16xf32>,
    }
    %scan3A_477 = arith.constant 32 : i32
    %add3A_478 = arith.constant 160 : i32
    %add3A_479 = arith.addi %rem3A_20, %add3A_478 : i32
    %dma_start3A_480 = arith.constant 160 : i32
    %dma_start3A_481 = arith.constant 0 : i32
    %dma_start3A_482 = tpu.memref_slice %arg8[%dma_start3A_480, %dma_start3A_481] : memref<256x128xf32, #tpu.memory_space<vmem>> -> memref<32x128xf32, #tpu.memory_space<vmem>>
    %dma_start3A_483 = arith.constant 0 : i32
    %dma_start3A_484 = tpu.memref_slice %arg5[%select_n3A, %add3A_479, %dma_start3A_483] : memref<4x2048x128xf32, #tpu.memory_space<hbm>> -> memref<1x32x128xf32, #tpu.memory_space<hbm>>
    %dma_start3A_485 = tpu.memref_squeeze %dma_start3A_484 : memref<1x32x128xf32, #tpu.memory_space<hbm>> -> memref<32x128xf32, #tpu.memory_space<hbm>>
    %dma_start3A_486 = arith.constant 0 : i32
    %dma_start3A_487 = tpu.memref_slice %arg5[%select_n3A, %add3A_479, %dma_start3A_486] : memref<4x2048x128xf32, #tpu.memory_space<hbm>> -> memref<1x32x128xf32, #tpu.memory_space<hbm>>
    %dma_start3A_488 = tpu.memref_squeeze %dma_start3A_487 : memref<1x32x128xf32, #tpu.memory_space<hbm>> -> memref<32x128xf32, #tpu.memory_space<hbm>>
    %dma_start3A_489 = arith.constant 160 : i32
    %dma_start3A_490 = arith.constant 0 : i32
    %dma_start3A_491 = tpu.memref_slice %arg8[%dma_start3A_489, %dma_start3A_490] : memref<256x128xf32, #tpu.memory_space<vmem>> -> memref<32x128xf32, #tpu.memory_space<vmem>>
    tpu.enqueue_dma source(%dma_start3A_491 : memref<32x128xf32, #tpu.memory_space<vmem>>) target(%dma_start3A_488 : memref<32x128xf32, #tpu.memory_space<hbm>>) target_semaphore(%arg31 : memref<!tpu.dma_semaphore, #tpu.memory_space<semaphore_mem>>)
    %dma_wait3A_492 = arith.constant 192 : i32
    %dma_wait3A_493 = arith.constant 0 : i32
    %dma_wait3A_494 = tpu.memref_slice %arg7[%dma_wait3A_492, %dma_wait3A_493] : memref<256x128xf32, #tpu.memory_space<vmem>> -> memref<32x128xf32, #tpu.memory_space<vmem>>
    %dma_wait3A_495 = arith.constant 192 : i32
    %dma_wait3A_496 = tpu.memref_slice %arg6[%dma_wait3A_495] : memref<256xi32, #tpu.memory_space<vmem>> -> memref<32xi32, #tpu.memory_space<vmem>>
    %dma_wait3A_497 = arith.constant 0 : i32
    %dma_wait3A_498 = arith.constant 0 : i32
    %dma_wait3A_499 = tpu.memref_slice %arg3[%dma_wait3A_497, %dma_wait3A_498] : memref<1000000x128xf32, #tpu.memory_space<hbm>> -> memref<1000000x128xf32, #tpu.memory_space<hbm>>
    tpu.wait_indirect_dma semaphore(%arg16 : memref<!tpu.dma_semaphore, #tpu.memory_space<semaphore_mem>>) src(%dma_wait3A_499 : memref<1000000x128xf32, #tpu.memory_space<hbm>>) dst(%dma_wait3A_494 : memref<32x128xf32, #tpu.memory_space<vmem>>)
    %dma_wait3A_500 = arith.constant 192 : i32
    %dma_wait3A_501 = arith.constant 0 : i32
    %dma_wait3A_502 = tpu.memref_slice %arg8[%dma_wait3A_500, %dma_wait3A_501] : memref<256x128xf32, #tpu.memory_space<vmem>> -> memref<32x128xf32, #tpu.memory_space<vmem>>
    %dma_wait3A_503 = arith.constant 192 : i32
    %dma_wait3A_504 = arith.constant 0 : i32
    %dma_wait3A_505 = tpu.memref_slice %arg9[%rem3A_128, %dma_wait3A_503, %dma_wait3A_504] : memref<4x256x128xf32, #tpu.memory_space<vmem_shared>> -> memref<1x32x128xf32, #tpu.memory_space<vmem_shared>>
    %dma_wait3A_506 = tpu.memref_squeeze %dma_wait3A_505 : memref<1x32x128xf32, #tpu.memory_space<vmem_shared>> -> memref<32x128xf32, #tpu.memory_space<vmem_shared>>
    %dma_wait3A_507 = arith.constant 192 : i32
    %dma_wait3A_508 = arith.constant 0 : i32
    %dma_wait3A_509 = tpu.memref_slice %arg8[%dma_wait3A_507, %dma_wait3A_508] : memref<256x128xf32, #tpu.memory_space<vmem>> -> memref<32x128xf32, #tpu.memory_space<vmem>>
    %dma_wait3A_510 = arith.constant 192 : i32
    %dma_wait3A_511 = arith.constant 0 : i32
    %dma_wait3A_512 = tpu.memref_slice %arg9[%rem3A_128, %dma_wait3A_510, %dma_wait3A_511] : memref<4x256x128xf32, #tpu.memory_space<vmem_shared>> -> memref<1x32x128xf32, #tpu.memory_space<vmem_shared>>
    %dma_wait3A_513 = tpu.memref_squeeze %dma_wait3A_512 : memref<1x32x128xf32, #tpu.memory_space<vmem_shared>> -> memref<32x128xf32, #tpu.memory_space<vmem_shared>>
    tpu.wait_dma2 semaphore(%arg24 : memref<!tpu.dma_semaphore, #tpu.memory_space<semaphore_mem>>) src(%dma_wait3A_513 : memref<32x128xf32, #tpu.memory_space<vmem_shared>>) dst(%dma_wait3A_509 : memref<32x128xf32, #tpu.memory_space<vmem>>)
    %scan3A_514 = arith.constant 0 : i32
    %scan3A_515 = arith.constant 192 : i32
    %scan3A_516 = arith.constant 32 : i32
    %scan3A_517 = arith.addi %scan3A_515, %scan3A_516 : i32
    %scan3A_518 = arith.constant 1 : i32
    scf.for %scan3A_672 = %scan3A_515 to %scan3A_517 step %scan3A_518  : i32 {
      %get3A = arith.index_cast %scan3A_672 : i32 to index
      %get3A_673 = arith.constant 0 : index
      %get3A_674 = tpu.vector_load %arg7[%get3A, %get3A_673] {strides = array<i32>} : memref<256x128xf32, #tpu.memory_space<vmem>>, vector<1x16xf32>,
      %get3A_675 = vector.shape_cast %get3A_674 : vector<1x16xf32> to vector<16xf32>
      %swap3A = arith.index_cast %scan3A_672 : i32 to index
      %swap3A_676 = arith.constant 0 : index
      %swap3A_677 = tpu.vector_load %arg8[%swap3A, %swap3A_676] {strides = array<i32>} : memref<256x128xf32, #tpu.memory_space<vmem>>, vector<1x16xf32>,
      %swap3A_678 = vector.shape_cast %swap3A_677 : vector<1x16xf32> to vector<16xf32>
      %swap3A_679 = vector.shape_cast %get3A_675 : vector<16xf32> to vector<1x16xf32>
      tpu.vector_store %arg8[%swap3A, %swap3A_676], %swap3A_679 {add = true, strides = array<i32>} : memref<256x128xf32, #tpu.memory_space<vmem>>, vector<1x16xf32>,
      %get3A_680 = arith.index_cast %scan3A_672 : i32 to index
      %get3A_681 = arith.constant 16 : index
      %get3A_682 = tpu.vector_load %arg7[%get3A_680, %get3A_681] {strides = array<i32>} : memref<256x128xf32, #tpu.memory_space<vmem>>, vector<1x16xf32>,
      %get3A_683 = vector.shape_cast %get3A_682 : vector<1x16xf32> to vector<16xf32>
      %swap3A_684 = arith.index_cast %scan3A_672 : i32 to index
      %swap3A_685 = arith.constant 16 : index
      %swap3A_686 = tpu.vector_load %arg8[%swap3A_684, %swap3A_685] {strides = array<i32>} : memref<256x128xf32, #tpu.memory_space<vmem>>, vector<1x16xf32>,
      %swap3A_687 = vector.shape_cast %swap3A_686 : vector<1x16xf32> to vector<16xf32>
      %swap3A_688 = vector.shape_cast %get3A_683 : vector<16xf32> to vector<1x16xf32>
      tpu.vector_store %arg8[%swap3A_684, %swap3A_685], %swap3A_688 {add = true, strides = array<i32>} : memref<256x128xf32, #tpu.memory_space<vmem>>, vector<1x16xf32>,
      %get3A_689 = arith.index_cast %scan3A_672 : i32 to index
      %get3A_690 = arith.constant 32 : index
      %get3A_691 = tpu.vector_load %arg7[%get3A_689, %get3A_690] {strides = array<i32>} : memref<256x128xf32, #tpu.memory_space<vmem>>, vector<1x16xf32>,
      %get3A_692 = vector.shape_cast %get3A_691 : vector<1x16xf32> to vector<16xf32>
      %swap3A_693 = arith.index_cast %scan3A_672 : i32 to index
      %swap3A_694 = arith.constant 32 : index
      %swap3A_695 = tpu.vector_load %arg8[%swap3A_693, %swap3A_694] {strides = array<i32>} : memref<256x128xf32, #tpu.memory_space<vmem>>, vector<1x16xf32>,
      %swap3A_696 = vector.shape_cast %swap3A_695 : vector<1x16xf32> to vector<16xf32>
      %swap3A_697 = vector.shape_cast %get3A_692 : vector<16xf32> to vector<1x16xf32>
      tpu.vector_store %arg8[%swap3A_693, %swap3A_694], %swap3A_697 {add = true, strides = array<i32>} : memref<256x128xf32, #tpu.memory_space<vmem>>, vector<1x16xf32>,
      %get3A_698 = arith.index_cast %scan3A_672 : i32 to index
      %get3A_699 = arith.constant 48 : index
      %get3A_700 = tpu.vector_load %arg7[%get3A_698, %get3A_699] {strides = array<i32>} : memref<256x128xf32, #tpu.memory_space<vmem>>, vector<1x16xf32>,
      %get3A_701 = vector.shape_cast %get3A_700 : vector<1x16xf32> to vector<16xf32>
      %swap3A_702 = arith.index_cast %scan3A_672 : i32 to index
      %swap3A_703 = arith.constant 48 : index
      %swap3A_704 = tpu.vector_load %arg8[%swap3A_702, %swap3A_703] {strides = array<i32>} : memref<256x128xf32, #tpu.memory_space<vmem>>, vector<1x16xf32>,
      %swap3A_705 = vector.shape_cast %swap3A_704 : vector<1x16xf32> to vector<16xf32>
      %swap3A_706 = vector.shape_cast %get3A_701 : vector<16xf32> to vector<1x16xf32>
      tpu.vector_store %arg8[%swap3A_702, %swap3A_703], %swap3A_706 {add = true, strides = array<i32>} : memref<256x128xf32, #tpu.memory_space<vmem>>, vector<1x16xf32>,
      %get3A_707 = arith.index_cast %scan3A_672 : i32 to index
      %get3A_708 = arith.constant 64 : index
      %get3A_709 = tpu.vector_load %arg7[%get3A_707, %get3A_708] {strides = array<i32>} : memref<256x128xf32, #tpu.memory_space<vmem>>, vector<1x16xf32>,
      %get3A_710 = vector.shape_cast %get3A_709 : vector<1x16xf32> to vector<16xf32>
      %swap3A_711 = arith.index_cast %scan3A_672 : i32 to index
      %swap3A_712 = arith.constant 64 : index
      %swap3A_713 = tpu.vector_load %arg8[%swap3A_711, %swap3A_712] {strides = array<i32>} : memref<256x128xf32, #tpu.memory_space<vmem>>, vector<1x16xf32>,
      %swap3A_714 = vector.shape_cast %swap3A_713 : vector<1x16xf32> to vector<16xf32>
      %swap3A_715 = vector.shape_cast %get3A_710 : vector<16xf32> to vector<1x16xf32>
      tpu.vector_store %arg8[%swap3A_711, %swap3A_712], %swap3A_715 {add = true, strides = array<i32>} : memref<256x128xf32, #tpu.memory_space<vmem>>, vector<1x16xf32>,
      %get3A_716 = arith.index_cast %scan3A_672 : i32 to index
      %get3A_717 = arith.constant 80 : index
      %get3A_718 = tpu.vector_load %arg7[%get3A_716, %get3A_717] {strides = array<i32>} : memref<256x128xf32, #tpu.memory_space<vmem>>, vector<1x16xf32>,
      %get3A_719 = vector.shape_cast %get3A_718 : vector<1x16xf32> to vector<16xf32>
      %swap3A_720 = arith.index_cast %scan3A_672 : i32 to index
      %swap3A_721 = arith.constant 80 : index
      %swap3A_722 = tpu.vector_load %arg8[%swap3A_720, %swap3A_721] {strides = array<i32>} : memref<256x128xf32, #tpu.memory_space<vmem>>, vector<1x16xf32>,
      %swap3A_723 = vector.shape_cast %swap3A_722 : vector<1x16xf32> to vector<16xf32>
      %swap3A_724 = vector.shape_cast %get3A_719 : vector<16xf32> to vector<1x16xf32>
      tpu.vector_store %arg8[%swap3A_720, %swap3A_721], %swap3A_724 {add = true, strides = array<i32>} : memref<256x128xf32, #tpu.memory_space<vmem>>, vector<1x16xf32>,
      %get3A_725 = arith.index_cast %scan3A_672 : i32 to index
      %get3A_726 = arith.constant 96 : index
      %get3A_727 = tpu.vector_load %arg7[%get3A_725, %get3A_726] {strides = array<i32>} : memref<256x128xf32, #tpu.memory_space<vmem>>, vector<1x16xf32>,
      %get3A_728 = vector.shape_cast %get3A_727 : vector<1x16xf32> to vector<16xf32>
      %swap3A_729 = arith.index_cast %scan3A_672 : i32 to index
      %swap3A_730 = arith.constant 96 : index
      %swap3A_731 = tpu.vector_load %arg8[%swap3A_729, %swap3A_730] {strides = array<i32>} : memref<256x128xf32, #tpu.memory_space<vmem>>, vector<1x16xf32>,
      %swap3A_732 = vector.shape_cast %swap3A_731 : vector<1x16xf32> to vector<16xf32>
      %swap3A_733 = vector.shape_cast %get3A_728 : vector<16xf32> to vector<1x16xf32>
      tpu.vector_store %arg8[%swap3A_729, %swap3A_730], %swap3A_733 {add = true, strides = array<i32>} : memref<256x128xf32, #tpu.memory_space<vmem>>, vector<1x16xf32>,
      %get3A_734 = arith.index_cast %scan3A_672 : i32 to index
      %get3A_735 = arith.constant 112 : index
      %get3A_736 = tpu.vector_load %arg7[%get3A_734, %get3A_735] {strides = array<i32>} : memref<256x128xf32, #tpu.memory_space<vmem>>, vector<1x16xf32>,
      %get3A_737 = vector.shape_cast %get3A_736 : vector<1x16xf32> to vector<16xf32>
      %swap3A_738 = arith.index_cast %scan3A_672 : i32 to index
      %swap3A_739 = arith.constant 112 : index
      %swap3A_740 = tpu.vector_load %arg8[%swap3A_738, %swap3A_739] {strides = array<i32>} : memref<256x128xf32, #tpu.memory_space<vmem>>, vector<1x16xf32>,
      %swap3A_741 = vector.shape_cast %swap3A_740 : vector<1x16xf32> to vector<16xf32>
      %swap3A_742 = vector.shape_cast %get3A_737 : vector<16xf32> to vector<1x16xf32>
      tpu.vector_store %arg8[%swap3A_738, %swap3A_739], %swap3A_742 {add = true, strides = array<i32>} : memref<256x128xf32, #tpu.memory_space<vmem>>, vector<1x16xf32>,
    }
    %scan3A_519 = arith.constant 32 : i32
    %add3A_520 = arith.constant 192 : i32
    %add3A_521 = arith.addi %rem3A_20, %add3A_520 : i32
    %dma_start3A_522 = arith.constant 192 : i32
    %dma_start3A_523 = arith.constant 0 : i32
    %dma_start3A_524 = tpu.memref_slice %arg8[%dma_start3A_522, %dma_start3A_523] : memref<256x128xf32, #tpu.memory_space<vmem>> -> memref<32x128xf32, #tpu.memory_space<vmem>>
    %dma_start3A_525 = arith.constant 0 : i32
    %dma_start3A_526 = tpu.memref_slice %arg5[%select_n3A, %add3A_521, %dma_start3A_525] : memref<4x2048x128xf32, #tpu.memory_space<hbm>> -> memref<1x32x128xf32, #tpu.memory_space<hbm>>
    %dma_start3A_527 = tpu.memref_squeeze %dma_start3A_526 : memref<1x32x128xf32, #tpu.memory_space<hbm>> -> memref<32x128xf32, #tpu.memory_space<hbm>>
    %dma_start3A_528 = arith.constant 0 : i32
    %dma_start3A_529 = tpu.memref_slice %arg5[%select_n3A, %add3A_521, %dma_start3A_528] : memref<4x2048x128xf32, #tpu.memory_space<hbm>> -> memref<1x32x128xf32, #tpu.memory_space<hbm>>
    %dma_start3A_530 = tpu.memref_squeeze %dma_start3A_529 : memref<1x32x128xf32, #tpu.memory_space<hbm>> -> memref<32x128xf32, #tpu.memory_space<hbm>>
    %dma_start3A_531 = arith.constant 192 : i32
    %dma_start3A_532 = arith.constant 0 : i32
    %dma_start3A_533 = tpu.memref_slice %arg8[%dma_start3A_531, %dma_start3A_532] : memref<256x128xf32, #tpu.memory_space<vmem>> -> memref<32x128xf32, #tpu.memory_space<vmem>>
    tpu.enqueue_dma source(%dma_start3A_533 : memref<32x128xf32, #tpu.memory_space<vmem>>) target(%dma_start3A_530 : memref<32x128xf32, #tpu.memory_space<hbm>>) target_semaphore(%arg32 : memref<!tpu.dma_semaphore, #tpu.memory_space<semaphore_mem>>)
    %dma_wait3A_534 = arith.constant 224 : i32
    %dma_wait3A_535 = arith.constant 0 : i32
    %dma_wait3A_536 = tpu.memref_slice %arg7[%dma_wait3A_534, %dma_wait3A_535] : memref<256x128xf32, #tpu.memory_space<vmem>> -> memref<32x128xf32, #tpu.memory_space<vmem>>
    %dma_wait3A_537 = arith.constant 224 : i32
    %dma_wait3A_538 = tpu.memref_slice %arg6[%dma_wait3A_537] : memref<256xi32, #tpu.memory_space<vmem>> -> memref<32xi32, #tpu.memory_space<vmem>>
    %dma_wait3A_539 = arith.constant 0 : i32
    %dma_wait3A_540 = arith.constant 0 : i32
    %dma_wait3A_541 = tpu.memref_slice %arg3[%dma_wait3A_539, %dma_wait3A_540] : memref<1000000x128xf32, #tpu.memory_space<hbm>> -> memref<1000000x128xf32, #tpu.memory_space<hbm>>
    tpu.wait_indirect_dma semaphore(%arg17 : memref<!tpu.dma_semaphore, #tpu.memory_space<semaphore_mem>>) src(%dma_wait3A_541 : memref<1000000x128xf32, #tpu.memory_space<hbm>>) dst(%dma_wait3A_536 : memref<32x128xf32, #tpu.memory_space<vmem>>)
    %dma_wait3A_542 = arith.constant 224 : i32
    %dma_wait3A_543 = arith.constant 0 : i32
    %dma_wait3A_544 = tpu.memref_slice %arg8[%dma_wait3A_542, %dma_wait3A_543] : memref<256x128xf32, #tpu.memory_space<vmem>> -> memref<32x128xf32, #tpu.memory_space<vmem>>
    %dma_wait3A_545 = arith.constant 224 : i32
    %dma_wait3A_546 = arith.constant 0 : i32
    %dma_wait3A_547 = tpu.memref_slice %arg9[%rem3A_128, %dma_wait3A_545, %dma_wait3A_546] : memref<4x256x128xf32, #tpu.memory_space<vmem_shared>> -> memref<1x32x128xf32, #tpu.memory_space<vmem_shared>>
    %dma_wait3A_548 = tpu.memref_squeeze %dma_wait3A_547 : memref<1x32x128xf32, #tpu.memory_space<vmem_shared>> -> memref<32x128xf32, #tpu.memory_space<vmem_shared>>
    %dma_wait3A_549 = arith.constant 224 : i32
    %dma_wait3A_550 = arith.constant 0 : i32
    %dma_wait3A_551 = tpu.memref_slice %arg8[%dma_wait3A_549, %dma_wait3A_550] : memref<256x128xf32, #tpu.memory_space<vmem>> -> memref<32x128xf32, #tpu.memory_space<vmem>>
    %dma_wait3A_552 = arith.constant 224 : i32
    %dma_wait3A_553 = arith.constant 0 : i32
    %dma_wait3A_554 = tpu.memref_slice %arg9[%rem3A_128, %dma_wait3A_552, %dma_wait3A_553] : memref<4x256x128xf32, #tpu.memory_space<vmem_shared>> -> memref<1x32x128xf32, #tpu.memory_space<vmem_shared>>
    %dma_wait3A_555 = tpu.memref_squeeze %dma_wait3A_554 : memref<1x32x128xf32, #tpu.memory_space<vmem_shared>> -> memref<32x128xf32, #tpu.memory_space<vmem_shared>>
    tpu.wait_dma2 semaphore(%arg25 : memref<!tpu.dma_semaphore, #tpu.memory_space<semaphore_mem>>) src(%dma_wait3A_555 : memref<32x128xf32, #tpu.memory_space<vmem_shared>>) dst(%dma_wait3A_551 : memref<32x128xf32, #tpu.memory_space<vmem>>)
    %scan3A_556 = arith.constant 0 : i32
    %scan3A_557 = arith.constant 224 : i32
    %scan3A_558 = arith.constant 32 : i32
    %scan3A_559 = arith.addi %scan3A_557, %scan3A_558 : i32
    %scan3A_560 = arith.constant 1 : i32
    scf.for %scan3A_672 = %scan3A_557 to %scan3A_559 step %scan3A_560  : i32 {
      %get3A = arith.index_cast %scan3A_672 : i32 to index
      %get3A_673 = arith.constant 0 : index
      %get3A_674 = tpu.vector_load %arg7[%get3A, %get3A_673] {strides = array<i32>} : memref<256x128xf32, #tpu.memory_space<vmem>>, vector<1x16xf32>,
      %get3A_675 = vector.shape_cast %get3A_674 : vector<1x16xf32> to vector<16xf32>
      %swap3A = arith.index_cast %scan3A_672 : i32 to index
      %swap3A_676 = arith.constant 0 : index
      %swap3A_677 = tpu.vector_load %arg8[%swap3A, %swap3A_676] {strides = array<i32>} : memref<256x128xf32, #tpu.memory_space<vmem>>, vector<1x16xf32>,
      %swap3A_678 = vector.shape_cast %swap3A_677 : vector<1x16xf32> to vector<16xf32>
      %swap3A_679 = vector.shape_cast %get3A_675 : vector<16xf32> to vector<1x16xf32>
      tpu.vector_store %arg8[%swap3A, %swap3A_676], %swap3A_679 {add = true, strides = array<i32>} : memref<256x128xf32, #tpu.memory_space<vmem>>, vector<1x16xf32>,
      %get3A_680 = arith.index_cast %scan3A_672 : i32 to index
      %get3A_681 = arith.constant 16 : index
      %get3A_682 = tpu.vector_load %arg7[%get3A_680, %get3A_681] {strides = array<i32>} : memref<256x128xf32, #tpu.memory_space<vmem>>, vector<1x16xf32>,
      %get3A_683 = vector.shape_cast %get3A_682 : vector<1x16xf32> to vector<16xf32>
      %swap3A_684 = arith.index_cast %scan3A_672 : i32 to index
      %swap3A_685 = arith.constant 16 : index
      %swap3A_686 = tpu.vector_load %arg8[%swap3A_684, %swap3A_685] {strides = array<i32>} : memref<256x128xf32, #tpu.memory_space<vmem>>, vector<1x16xf32>,
      %swap3A_687 = vector.shape_cast %swap3A_686 : vector<1x16xf32> to vector<16xf32>
      %swap3A_688 = vector.shape_cast %get3A_683 : vector<16xf32> to vector<1x16xf32>
      tpu.vector_store %arg8[%swap3A_684, %swap3A_685], %swap3A_688 {add = true, strides = array<i32>} : memref<256x128xf32, #tpu.memory_space<vmem>>, vector<1x16xf32>,
      %get3A_689 = arith.index_cast %scan3A_672 : i32 to index
      %get3A_690 = arith.constant 32 : index
      %get3A_691 = tpu.vector_load %arg7[%get3A_689, %get3A_690] {strides = array<i32>} : memref<256x128xf32, #tpu.memory_space<vmem>>, vector<1x16xf32>,
      %get3A_692 = vector.shape_cast %get3A_691 : vector<1x16xf32> to vector<16xf32>
      %swap3A_693 = arith.index_cast %scan3A_672 : i32 to index
      %swap3A_694 = arith.constant 32 : index
      %swap3A_695 = tpu.vector_load %arg8[%swap3A_693, %swap3A_694] {strides = array<i32>} : memref<256x128xf32, #tpu.memory_space<vmem>>, vector<1x16xf32>,
      %swap3A_696 = vector.shape_cast %swap3A_695 : vector<1x16xf32> to vector<16xf32>
      %swap3A_697 = vector.shape_cast %get3A_692 : vector<16xf32> to vector<1x16xf32>
      tpu.vector_store %arg8[%swap3A_693, %swap3A_694], %swap3A_697 {add = true, strides = array<i32>} : memref<256x128xf32, #tpu.memory_space<vmem>>, vector<1x16xf32>,
      %get3A_698 = arith.index_cast %scan3A_672 : i32 to index
      %get3A_699 = arith.constant 48 : index
      %get3A_700 = tpu.vector_load %arg7[%get3A_698, %get3A_699] {strides = array<i32>} : memref<256x128xf32, #tpu.memory_space<vmem>>, vector<1x16xf32>,
      %get3A_701 = vector.shape_cast %get3A_700 : vector<1x16xf32> to vector<16xf32>
      %swap3A_702 = arith.index_cast %scan3A_672 : i32 to index
      %swap3A_703 = arith.constant 48 : index
      %swap3A_704 = tpu.vector_load %arg8[%swap3A_702, %swap3A_703] {strides = array<i32>} : memref<256x128xf32, #tpu.memory_space<vmem>>, vector<1x16xf32>,
      %swap3A_705 = vector.shape_cast %swap3A_704 : vector<1x16xf32> to vector<16xf32>
      %swap3A_706 = vector.shape_cast %get3A_701 : vector<16xf32> to vector<1x16xf32>
      tpu.vector_store %arg8[%swap3A_702, %swap3A_703], %swap3A_706 {add = true, strides = array<i32>} : memref<256x128xf32, #tpu.memory_space<vmem>>, vector<1x16xf32>,
      %get3A_707 = arith.index_cast %scan3A_672 : i32 to index
      %get3A_708 = arith.constant 64 : index
      %get3A_709 = tpu.vector_load %arg7[%get3A_707, %get3A_708] {strides = array<i32>} : memref<256x128xf32, #tpu.memory_space<vmem>>, vector<1x16xf32>,
      %get3A_710 = vector.shape_cast %get3A_709 : vector<1x16xf32> to vector<16xf32>
      %swap3A_711 = arith.index_cast %scan3A_672 : i32 to index
      %swap3A_712 = arith.constant 64 : index
      %swap3A_713 = tpu.vector_load %arg8[%swap3A_711, %swap3A_712] {strides = array<i32>} : memref<256x128xf32, #tpu.memory_space<vmem>>, vector<1x16xf32>,
      %swap3A_714 = vector.shape_cast %swap3A_713 : vector<1x16xf32> to vector<16xf32>
      %swap3A_715 = vector.shape_cast %get3A_710 : vector<16xf32> to vector<1x16xf32>
      tpu.vector_store %arg8[%swap3A_711, %swap3A_712], %swap3A_715 {add = true, strides = array<i32>} : memref<256x128xf32, #tpu.memory_space<vmem>>, vector<1x16xf32>,
      %get3A_716 = arith.index_cast %scan3A_672 : i32 to index
      %get3A_717 = arith.constant 80 : index
      %get3A_718 = tpu.vector_load %arg7[%get3A_716, %get3A_717] {strides = array<i32>} : memref<256x128xf32, #tpu.memory_space<vmem>>, vector<1x16xf32>,
      %get3A_719 = vector.shape_cast %get3A_718 : vector<1x16xf32> to vector<16xf32>
      %swap3A_720 = arith.index_cast %scan3A_672 : i32 to index
      %swap3A_721 = arith.constant 80 : index
      %swap3A_722 = tpu.vector_load %arg8[%swap3A_720, %swap3A_721] {strides = array<i32>} : memref<256x128xf32, #tpu.memory_space<vmem>>, vector<1x16xf32>,
      %swap3A_723 = vector.shape_cast %swap3A_722 : vector<1x16xf32> to vector<16xf32>
      %swap3A_724 = vector.shape_cast %get3A_719 : vector<16xf32> to vector<1x16xf32>
      tpu.vector_store %arg8[%swap3A_720, %swap3A_721], %swap3A_724 {add = true, strides = array<i32>} : memref<256x128xf32, #tpu.memory_space<vmem>>, vector<1x16xf32>,
      %get3A_725 = arith.index_cast %scan3A_672 : i32 to index
      %get3A_726 = arith.constant 96 : index
      %get3A_727 = tpu.vector_load %arg7[%get3A_725, %get3A_726] {strides = array<i32>} : memref<256x128xf32, #tpu.memory_space<vmem>>, vector<1x16xf32>,
      %get3A_728 = vector.shape_cast %get3A_727 : vector<1x16xf32> to vector<16xf32>
      %swap3A_729 = arith.index_cast %scan3A_672 : i32 to index
      %swap3A_730 = arith.constant 96 : index
      %swap3A_731 = tpu.vector_load %arg8[%swap3A_729, %swap3A_730] {strides = array<i32>} : memref<256x128xf32, #tpu.memory_space<vmem>>, vector<1x16xf32>,
      %swap3A_732 = vector.shape_cast %swap3A_731 : vector<1x16xf32> to vector<16xf32>
      %swap3A_733 = vector.shape_cast %get3A_728 : vector<16xf32> to vector<1x16xf32>
      tpu.vector_store %arg8[%swap3A_729, %swap3A_730], %swap3A_733 {add = true, strides = array<i32>} : memref<256x128xf32, #tpu.memory_space<vmem>>, vector<1x16xf32>,
      %get3A_734 = arith.index_cast %scan3A_672 : i32 to index
      %get3A_735 = arith.constant 112 : index
      %get3A_736 = tpu.vector_load %arg7[%get3A_734, %get3A_735] {strides = array<i32>} : memref<256x128xf32, #tpu.memory_space<vmem>>, vector<1x16xf32>,
      %get3A_737 = vector.shape_cast %get3A_736 : vector<1x16xf32> to vector<16xf32>
      %swap3A_738 = arith.index_cast %scan3A_672 : i32 to index
      %swap3A_739 = arith.constant 112 : index
      %swap3A_740 = tpu.vector_load %arg8[%swap3A_738, %swap3A_739] {strides = array<i32>} : memref<256x128xf32, #tpu.memory_space<vmem>>, vector<1x16xf32>,
      %swap3A_741 = vector.shape_cast %swap3A_740 : vector<1x16xf32> to vector<16xf32>
      %swap3A_742 = vector.shape_cast %get3A_737 : vector<16xf32> to vector<1x16xf32>
      tpu.vector_store %arg8[%swap3A_738, %swap3A_739], %swap3A_742 {add = true, strides = array<i32>} : memref<256x128xf32, #tpu.memory_space<vmem>>, vector<1x16xf32>,
    }
    %scan3A_561 = arith.constant 32 : i32
    %add3A_562 = arith.constant 224 : i32
    %add3A_563 = arith.addi %rem3A_20, %add3A_562 : i32
    %dma_start3A_564 = arith.constant 224 : i32
    %dma_start3A_565 = arith.constant 0 : i32
    %dma_start3A_566 = tpu.memref_slice %arg8[%dma_start3A_564, %dma_start3A_565] : memref<256x128xf32, #tpu.memory_space<vmem>> -> memref<32x128xf32, #tpu.memory_space<vmem>>
    %dma_start3A_567 = arith.constant 0 : i32
    %dma_start3A_568 = tpu.memref_slice %arg5[%select_n3A, %add3A_563, %dma_start3A_567] : memref<4x2048x128xf32, #tpu.memory_space<hbm>> -> memref<1x32x128xf32, #tpu.memory_space<hbm>>
    %dma_start3A_569 = tpu.memref_squeeze %dma_start3A_568 : memref<1x32x128xf32, #tpu.memory_space<hbm>> -> memref<32x128xf32, #tpu.memory_space<hbm>>
    %dma_start3A_570 = arith.constant 0 : i32
    %dma_start3A_571 = tpu.memref_slice %arg5[%select_n3A, %add3A_563, %dma_start3A_570] : memref<4x2048x128xf32, #tpu.memory_space<hbm>> -> memref<1x32x128xf32, #tpu.memory_space<hbm>>
    %dma_start3A_572 = tpu.memref_squeeze %dma_start3A_571 : memref<1x32x128xf32, #tpu.memory_space<hbm>> -> memref<32x128xf32, #tpu.memory_space<hbm>>
    %dma_start3A_573 = arith.constant 224 : i32
    %dma_start3A_574 = arith.constant 0 : i32
    %dma_start3A_575 = tpu.memref_slice %arg8[%dma_start3A_573, %dma_start3A_574] : memref<256x128xf32, #tpu.memory_space<vmem>> -> memref<32x128xf32, #tpu.memory_space<vmem>>
    tpu.enqueue_dma source(%dma_start3A_575 : memref<32x128xf32, #tpu.memory_space<vmem>>) target(%dma_start3A_572 : memref<32x128xf32, #tpu.memory_space<hbm>>) target_semaphore(%arg33 : memref<!tpu.dma_semaphore, #tpu.memory_space<semaphore_mem>>)
    %dma_wait3A_576 = arith.constant 0 : i32
    %dma_wait3A_577 = arith.constant 0 : i32
    %dma_wait3A_578 = tpu.memref_slice %arg8[%dma_wait3A_576, %dma_wait3A_577] : memref<256x128xf32, #tpu.memory_space<vmem>> -> memref<32x128xf32, #tpu.memory_space<vmem>>
    %dma_wait3A_579 = arith.constant 0 : i32
    %dma_wait3A_580 = tpu.memref_slice %arg5[%select_n3A, %add3A_269, %dma_wait3A_579] : memref<4x2048x128xf32, #tpu.memory_space<hbm>> -> memref<1x32x128xf32, #tpu.memory_space<hbm>>
    %dma_wait3A_581 = tpu.memref_squeeze %dma_wait3A_580 : memref<1x32x128xf32, #tpu.memory_space<hbm>> -> memref<32x128xf32, #tpu.memory_space<hbm>>
    %dma_wait3A_582 = arith.constant 0 : i32
    %dma_wait3A_583 = tpu.memref_slice %arg5[%select_n3A, %add3A_269, %dma_wait3A_582] : memref<4x2048x128xf32, #tpu.memory_space<hbm>> -> memref<1x32x128xf32, #tpu.memory_space<hbm>>
    %dma_wait3A_584 = tpu.memref_squeeze %dma_wait3A_583 : memref<1x32x128xf32, #tpu.memory_space<hbm>> -> memref<32x128xf32, #tpu.memory_space<hbm>>
    %dma_wait3A_585 = arith.constant 0 : i32
    %dma_wait3A_586 = arith.constant 0 : i32
    %dma_wait3A_587 = tpu.memref_slice %arg8[%dma_wait3A_585, %dma_wait3A_586] : memref<256x128xf32, #tpu.memory_space<vmem>> -> memref<32x128xf32, #tpu.memory_space<vmem>>
    tpu.wait_dma2 semaphore(%arg26 : memref<!tpu.dma_semaphore, #tpu.memory_space<semaphore_mem>>) src(%dma_wait3A_587 : memref<32x128xf32, #tpu.memory_space<vmem>>) dst(%dma_wait3A_584 : memref<32x128xf32, #tpu.memory_space<hbm>>)
    %dma_wait3A_588 = arith.constant 32 : i32
    %dma_wait3A_589 = arith.constant 0 : i32
    %dma_wait3A_590 = tpu.memref_slice %arg8[%dma_wait3A_588, %dma_wait3A_589] : memref<256x128xf32, #tpu.memory_space<vmem>> -> memref<32x128xf32, #tpu.memory_space<vmem>>
    %dma_wait3A_591 = arith.constant 0 : i32
    %dma_wait3A_592 = tpu.memref_slice %arg5[%select_n3A, %add3A_311, %dma_wait3A_591] : memref<4x2048x128xf32, #tpu.memory_space<hbm>> -> memref<1x32x128xf32, #tpu.memory_space<hbm>>
    %dma_wait3A_593 = tpu.memref_squeeze %dma_wait3A_592 : memref<1x32x128xf32, #tpu.memory_space<hbm>> -> memref<32x128xf32, #tpu.memory_space<hbm>>
    %dma_wait3A_594 = arith.constant 0 : i32
    %dma_wait3A_595 = tpu.memref_slice %arg5[%select_n3A, %add3A_311, %dma_wait3A_594] : memref<4x2048x128xf32, #tpu.memory_space<hbm>> -> memref<1x32x128xf32, #tpu.memory_space<hbm>>
    %dma_wait3A_596 = tpu.memref_squeeze %dma_wait3A_595 : memref<1x32x128xf32, #tpu.memory_space<hbm>> -> memref<32x128xf32, #tpu.memory_space<hbm>>
    %dma_wait3A_597 = arith.constant 32 : i32
    %dma_wait3A_598 = arith.constant 0 : i32
    %dma_wait3A_599 = tpu.memref_slice %arg8[%dma_wait3A_597, %dma_wait3A_598] : memref<256x128xf32, #tpu.memory_space<vmem>> -> memref<32x128xf32, #tpu.memory_space<vmem>>
    tpu.wait_dma2 semaphore(%arg27 : memref<!tpu.dma_semaphore, #tpu.memory_space<semaphore_mem>>) src(%dma_wait3A_599 : memref<32x128xf32, #tpu.memory_space<vmem>>) dst(%dma_wait3A_596 : memref<32x128xf32, #tpu.memory_space<hbm>>)
    %dma_wait3A_600 = arith.constant 64 : i32
    %dma_wait3A_601 = arith.constant 0 : i32
    %dma_wait3A_602 = tpu.memref_slice %arg8[%dma_wait3A_600, %dma_wait3A_601] : memref<256x128xf32, #tpu.memory_space<vmem>> -> memref<32x128xf32, #tpu.memory_space<vmem>>
    %dma_wait3A_603 = arith.constant 0 : i32
    %dma_wait3A_604 = tpu.memref_slice %arg5[%select_n3A, %add3A_353, %dma_wait3A_603] : memref<4x2048x128xf32, #tpu.memory_space<hbm>> -> memref<1x32x128xf32, #tpu.memory_space<hbm>>
    %dma_wait3A_605 = tpu.memref_squeeze %dma_wait3A_604 : memref<1x32x128xf32, #tpu.memory_space<hbm>> -> memref<32x128xf32, #tpu.memory_space<hbm>>
    %dma_wait3A_606 = arith.constant 0 : i32
    %dma_wait3A_607 = tpu.memref_slice %arg5[%select_n3A, %add3A_353, %dma_wait3A_606] : memref<4x2048x128xf32, #tpu.memory_space<hbm>> -> memref<1x32x128xf32, #tpu.memory_space<hbm>>
    %dma_wait3A_608 = tpu.memref_squeeze %dma_wait3A_607 : memref<1x32x128xf32, #tpu.memory_space<hbm>> -> memref<32x128xf32, #tpu.memory_space<hbm>>
    %dma_wait3A_609 = arith.constant 64 : i32
    %dma_wait3A_610 = arith.constant 0 : i32
    %dma_wait3A_611 = tpu.memref_slice %arg8[%dma_wait3A_609, %dma_wait3A_610] : memref<256x128xf32, #tpu.memory_space<vmem>> -> memref<32x128xf32, #tpu.memory_space<vmem>>
    tpu.wait_dma2 semaphore(%arg28 : memref<!tpu.dma_semaphore, #tpu.memory_space<semaphore_mem>>) src(%dma_wait3A_611 : memref<32x128xf32, #tpu.memory_space<vmem>>) dst(%dma_wait3A_608 : memref<32x128xf32, #tpu.memory_space<hbm>>)
    %dma_wait3A_612 = arith.constant 96 : i32
    %dma_wait3A_613 = arith.constant 0 : i32
    %dma_wait3A_614 = tpu.memref_slice %arg8[%dma_wait3A_612, %dma_wait3A_613] : memref<256x128xf32, #tpu.memory_space<vmem>> -> memref<32x128xf32, #tpu.memory_space<vmem>>
    %dma_wait3A_615 = arith.constant 0 : i32
    %dma_wait3A_616 = tpu.memref_slice %arg5[%select_n3A, %add3A_395, %dma_wait3A_615] : memref<4x2048x128xf32, #tpu.memory_space<hbm>> -> memref<1x32x128xf32, #tpu.memory_space<hbm>>
    %dma_wait3A_617 = tpu.memref_squeeze %dma_wait3A_616 : memref<1x32x128xf32, #tpu.memory_space<hbm>> -> memref<32x128xf32, #tpu.memory_space<hbm>>
    %dma_wait3A_618 = arith.constant 0 : i32
    %dma_wait3A_619 = tpu.memref_slice %arg5[%select_n3A, %add3A_395, %dma_wait3A_618] : memref<4x2048x128xf32, #tpu.memory_space<hbm>> -> memref<1x32x128xf32, #tpu.memory_space<hbm>>
    %dma_wait3A_620 = tpu.memref_squeeze %dma_wait3A_619 : memref<1x32x128xf32, #tpu.memory_space<hbm>> -> memref<32x128xf32, #tpu.memory_space<hbm>>
    %dma_wait3A_621 = arith.constant 96 : i32
    %dma_wait3A_622 = arith.constant 0 : i32
    %dma_wait3A_623 = tpu.memref_slice %arg8[%dma_wait3A_621, %dma_wait3A_622] : memref<256x128xf32, #tpu.memory_space<vmem>> -> memref<32x128xf32, #tpu.memory_space<vmem>>
    tpu.wait_dma2 semaphore(%arg29 : memref<!tpu.dma_semaphore, #tpu.memory_space<semaphore_mem>>) src(%dma_wait3A_623 : memref<32x128xf32, #tpu.memory_space<vmem>>) dst(%dma_wait3A_620 : memref<32x128xf32, #tpu.memory_space<hbm>>)
    %dma_wait3A_624 = arith.constant 128 : i32
    %dma_wait3A_625 = arith.constant 0 : i32
    %dma_wait3A_626 = tpu.memref_slice %arg8[%dma_wait3A_624, %dma_wait3A_625] : memref<256x128xf32, #tpu.memory_space<vmem>> -> memref<32x128xf32, #tpu.memory_space<vmem>>
    %dma_wait3A_627 = arith.constant 0 : i32
    %dma_wait3A_628 = tpu.memref_slice %arg5[%select_n3A, %add3A_437, %dma_wait3A_627] : memref<4x2048x128xf32, #tpu.memory_space<hbm>> -> memref<1x32x128xf32, #tpu.memory_space<hbm>>
    %dma_wait3A_629 = tpu.memref_squeeze %dma_wait3A_628 : memref<1x32x128xf32, #tpu.memory_space<hbm>> -> memref<32x128xf32, #tpu.memory_space<hbm>>
    %dma_wait3A_630 = arith.constant 0 : i32
    %dma_wait3A_631 = tpu.memref_slice %arg5[%select_n3A, %add3A_437, %dma_wait3A_630] : memref<4x2048x128xf32, #tpu.memory_space<hbm>> -> memref<1x32x128xf32, #tpu.memory_space<hbm>>
    %dma_wait3A_632 = tpu.memref_squeeze %dma_wait3A_631 : memref<1x32x128xf32, #tpu.memory_space<hbm>> -> memref<32x128xf32, #tpu.memory_space<hbm>>
    %dma_wait3A_633 = arith.constant 128 : i32
    %dma_wait3A_634 = arith.constant 0 : i32
    %dma_wait3A_635 = tpu.memref_slice %arg8[%dma_wait3A_633, %dma_wait3A_634] : memref<256x128xf32, #tpu.memory_space<vmem>> -> memref<32x128xf32, #tpu.memory_space<vmem>>
    tpu.wait_dma2 semaphore(%arg30 : memref<!tpu.dma_semaphore, #tpu.memory_space<semaphore_mem>>) src(%dma_wait3A_635 : memref<32x128xf32, #tpu.memory_space<vmem>>) dst(%dma_wait3A_632 : memref<32x128xf32, #tpu.memory_space<hbm>>)
    %dma_wait3A_636 = arith.constant 160 : i32
    %dma_wait3A_637 = arith.constant 0 : i32
    %dma_wait3A_638 = tpu.memref_slice %arg8[%dma_wait3A_636, %dma_wait3A_637] : memref<256x128xf32, #tpu.memory_space<vmem>> -> memref<32x128xf32, #tpu.memory_space<vmem>>
    %dma_wait3A_639 = arith.constant 0 : i32
    %dma_wait3A_640 = tpu.memref_slice %arg5[%select_n3A, %add3A_479, %dma_wait3A_639] : memref<4x2048x128xf32, #tpu.memory_space<hbm>> -> memref<1x32x128xf32, #tpu.memory_space<hbm>>
    %dma_wait3A_641 = tpu.memref_squeeze %dma_wait3A_640 : memref<1x32x128xf32, #tpu.memory_space<hbm>> -> memref<32x128xf32, #tpu.memory_space<hbm>>
    %dma_wait3A_642 = arith.constant 0 : i32
    %dma_wait3A_643 = tpu.memref_slice %arg5[%select_n3A, %add3A_479, %dma_wait3A_642] : memref<4x2048x128xf32, #tpu.memory_space<hbm>> -> memref<1x32x128xf32, #tpu.memory_space<hbm>>
    %dma_wait3A_644 = tpu.memref_squeeze %dma_wait3A_643 : memref<1x32x128xf32, #tpu.memory_space<hbm>> -> memref<32x128xf32, #tpu.memory_space<hbm>>
    %dma_wait3A_645 = arith.constant 160 : i32
    %dma_wait3A_646 = arith.constant 0 : i32
    %dma_wait3A_647 = tpu.memref_slice %arg8[%dma_wait3A_645, %dma_wait3A_646] : memref<256x128xf32, #tpu.memory_space<vmem>> -> memref<32x128xf32, #tpu.memory_space<vmem>>
    tpu.wait_dma2 semaphore(%arg31 : memref<!tpu.dma_semaphore, #tpu.memory_space<semaphore_mem>>) src(%dma_wait3A_647 : memref<32x128xf32, #tpu.memory_space<vmem>>) dst(%dma_wait3A_644 : memref<32x128xf32, #tpu.memory_space<hbm>>)
    %dma_wait3A_648 = arith.constant 192 : i32
    %dma_wait3A_649 = arith.constant 0 : i32
    %dma_wait3A_650 = tpu.memref_slice %arg8[%dma_wait3A_648, %dma_wait3A_649] : memref<256x128xf32, #tpu.memory_space<vmem>> -> memref<32x128xf32, #tpu.memory_space<vmem>>
    %dma_wait3A_651 = arith.constant 0 : i32
    %dma_wait3A_652 = tpu.memref_slice %arg5[%select_n3A, %add3A_521, %dma_wait3A_651] : memref<4x2048x128xf32, #tpu.memory_space<hbm>> -> memref<1x32x128xf32, #tpu.memory_space<hbm>>
    %dma_wait3A_653 = tpu.memref_squeeze %dma_wait3A_652 : memref<1x32x128xf32, #tpu.memory_space<hbm>> -> memref<32x128xf32, #tpu.memory_space<hbm>>
    %dma_wait3A_654 = arith.constant 0 : i32
    %dma_wait3A_655 = tpu.memref_slice %arg5[%select_n3A, %add3A_521, %dma_wait3A_654] : memref<4x2048x128xf32, #tpu.memory_space<hbm>> -> memref<1x32x128xf32, #tpu.memory_space<hbm>>
    %dma_wait3A_656 = tpu.memref_squeeze %dma_wait3A_655 : memref<1x32x128xf32, #tpu.memory_space<hbm>> -> memref<32x128xf32, #tpu.memory_space<hbm>>
    %dma_wait3A_657 = arith.constant 192 : i32
    %dma_wait3A_658 = arith.constant 0 : i32
    %dma_wait3A_659 = tpu.memref_slice %arg8[%dma_wait3A_657, %dma_wait3A_658] : memref<256x128xf32, #tpu.memory_space<vmem>> -> memref<32x128xf32, #tpu.memory_space<vmem>>
    tpu.wait_dma2 semaphore(%arg32 : memref<!tpu.dma_semaphore, #tpu.memory_space<semaphore_mem>>) src(%dma_wait3A_659 : memref<32x128xf32, #tpu.memory_space<vmem>>) dst(%dma_wait3A_656 : memref<32x128xf32, #tpu.memory_space<hbm>>)
    %dma_wait3A_660 = arith.constant 224 : i32
    %dma_wait3A_661 = arith.constant 0 : i32
    %dma_wait3A_662 = tpu.memref_slice %arg8[%dma_wait3A_660, %dma_wait3A_661] : memref<256x128xf32, #tpu.memory_space<vmem>> -> memref<32x128xf32, #tpu.memory_space<vmem>>
    %dma_wait3A_663 = arith.constant 0 : i32
    %dma_wait3A_664 = tpu.memref_slice %arg5[%select_n3A, %add3A_563, %dma_wait3A_663] : memref<4x2048x128xf32, #tpu.memory_space<hbm>> -> memref<1x32x128xf32, #tpu.memory_space<hbm>>
    %dma_wait3A_665 = tpu.memref_squeeze %dma_wait3A_664 : memref<1x32x128xf32, #tpu.memory_space<hbm>> -> memref<32x128xf32, #tpu.memory_space<hbm>>
    %dma_wait3A_666 = arith.constant 0 : i32
    %dma_wait3A_667 = tpu.memref_slice %arg5[%select_n3A, %add3A_563, %dma_wait3A_666] : memref<4x2048x128xf32, #tpu.memory_space<hbm>> -> memref<1x32x128xf32, #tpu.memory_space<hbm>>
    %dma_wait3A_668 = tpu.memref_squeeze %dma_wait3A_667 : memref<1x32x128xf32, #tpu.memory_space<hbm>> -> memref<32x128xf32, #tpu.memory_space<hbm>>
    %dma_wait3A_669 = arith.constant 224 : i32
    %dma_wait3A_670 = arith.constant 0 : i32
    %dma_wait3A_671 = tpu.memref_slice %arg8[%dma_wait3A_669, %dma_wait3A_670] : memref<256x128xf32, #tpu.memory_space<vmem>> -> memref<32x128xf32, #tpu.memory_space<vmem>>
    tpu.wait_dma2 semaphore(%arg33 : memref<!tpu.dma_semaphore, #tpu.memory_space<semaphore_mem>>) src(%dma_wait3A_671 : memref<32x128xf32, #tpu.memory_space<vmem>>) dst(%dma_wait3A_668 : memref<32x128xf32, #tpu.memory_space<hbm>>)
    return
  }
}

</mosaic_0001>

<sc_bundles>
// kernel: kernel.3.cloned.1.call-start
scs
__scs_entry_jumppad:
0x0: {  	(pc) =	sbr.rel $0x88, $3  }
0x1: {  	(tag) =	ssettag $0x0;
	lr =	simm.s32 $0x1  }
0x2: {  	[smem:$0x3F9E] =	sst lr;
	_ =	strace $0xD0000000  }
0x3: {  	_ = 	snop  }
0x4: {  	_ = 	snop  }
0x5: {  	_ = 	snop  }
0x6: {  	_ = 	snop  }
0x7: {  	_ = 	snop  }
__scs_overlays_trampoline_lowered:
0x8: {  	[smem:$0x3FAD] =	sst s0  }
0x9: {  	[smem:$0x3FAE] =	sst s1  }
0xa: {  	[smem:$0x3FAF] =	sst s2  }
0xb: {  	[smem:$0x3FB0] =	sst s3  }
0xc: {  	[smem:$0x3FB1] =	sst s4  }
0xd: {  	[smem:$0x3FB2] =	sst s5  }
0xe: {  	[smem:$0x3FB3] =	sst s6  }
0xf: {  	[smem:$0x3FB4] =	sst s7  }
0x10: {  	[smem:$0x3FB5] =	sst s8  }
0x11: {  	[smem:$0x3FB6] =	sst s9;
	s0 =	simm.s32 @!p0 $0x0  }
0x12: {  	s1 =	sld [smem:$0x3F9C];
	s0 =	simm.s32 @p0 $0x1  }
0x13: {  	[smem:$0x3FB7] =	sst s0;
	s0 =	simm.s32 @!p1 $0x0  }
0x14: {  	s2 =	sld [smem:$0x3F9B];
	s0 =	simm.s32 @p1 $0x1  }
0x15: {  	[smem:$0x3FB8] =	sst s0;
	s0 =	simm.s32 @!p2 $0x0  }
0x16: {  	s3 =	sld [smem:$0x3FDB];
	s0 =	simm.s32 @p2 $0x1  }
0x17: {  	s4 =	simm.s32 $0x1BF5;
	[smem:$0x3FBA] =	sst s0  }
0x18: {  	s0 =	sld [smem:$0x3F9D];
	_ =	swait.ge [sflag:s4], $0x0  }
0x19: {  	s7 =	sld [smem:$0x3F9E]  }
0x1a: {  	s8 =	sadd.s32 $0xFFFFE003, lr  }
0x1b: {  	s9 =	sadd.s32 $0xFFFFFEF7, lr;
	s5 =	simm.s32 $0xFFFFFFFF;
	p2 =	slt.u32 s8, $0xFFFFF086  }
0x1c: {  	p1 =	slt.u32 s9, $0xF7A;
	s5 =	simm.s32 @!p2 $0x0  }
0x1d: {  	s5 =	simm.s32 @p1 $0x1;
	p0 =	seq.s32 s7, s2  }
0x1e: {  	s7 =	smul.u32 @!p0 $0xF7A, s2;
	p2 =	seq.s32 @!p0 s5, $0x0  }
0x1f: {  	s9 =	smul.u32 $0xF7A, s1;
	s8 =	simm.s32 @!p0 $0x1BF5;
	p2 =	por !p2, p0  }
0x20: {  	[sflag:s8] =	ssyncset.s32 @!p0 $0xFFFFF086;
	s6 =	sadd.s32 @!p0 s3, s7;
	s7 =	simm.s32 @!p0 $0x108  }
0x21: {  	s3 =	sadd.s32 s3, s9;
	s6 =	sadd.s32 @!p0 $0x88, s6;
	s7 =	simm.s32 @p2 $0x1082  }
0x22: {  	[simem:s7], [sflag:s8] =	dma.local @!p0 [hbm:s6], $0xF7A  }
0x23: {  	s9 =	sor.u32 $0xD0000000, s2;
	s6 =	simm.s32 $0x108;
	_ =	swait.ge @!p0 [sflag:s8], $0x0  }
0x24: {  	s3 =	sadd.s32 $0x88, s3;
	s6 =	simm.s32 @!p1 $0x1082;
	[sflag:s4] =	ssyncset.s32 $0xFFFFF086  }
0x25: {  	[simem:s6], [sflag:s4] =	dma.local [hbm:s3], $0xF7A  }
0x26: {  	[smem:$0x3F9E] =	sst s1;
	(tag) =	ssettag s2;
	_ =	strace s9  }
0x27: {  	s1 =	sld [smem:$0x3FAE]  }
0x28: {  	s2 =	sld [smem:$0x3FAF]  }
0x29: {  	s4 =	sld [smem:$0x3FB1]  }
0x2a: {  	p0 =	seq.s32 s5, $0x0;
	s5 =	sld [smem:$0x3FB2]  }
0x2b: {  	s6 =	sld [smem:$0x3FB3]  }
0x2c: {  	s7 =	sld [smem:$0x3FB4]  }
0x2d: {  	s3 =	simm.s32 $0x108;
	s8 =	sld [smem:$0x3FB5]  }
0x2e: {  	s3 =	simm.s32 @!p0 $0x1082;
	s9 =	sld [smem:$0x3FB6]  }
0x2f: {  	lr =	sadd.s32 s0, s3;
	s0 =	sld [smem:$0x3FAD]  }
0x30: {  	s3 =	sld [smem:$0x3FB0]  }
0x31: {  	[smem:$0x3FB9] =	sst s10  }
0x32: {  	s10 =	sld [smem:$0x3FB7];
	_ =	sdelay $0x3  }
0x33: {  	p0 =	seq.s32 s10, $0x1;
	s10 =	sld [smem:$0x3FB9];
	_ =	sdelay $0x3  }
0x34: {  	[smem:$0x3FB9] =	sst s10  }
0x35: {  	s10 =	sld [smem:$0x3FB8];
	_ =	sdelay $0x3  }
0x36: {  	p1 =	seq.s32 s10, $0x1;
	s10 =	sld [smem:$0x3FB9];
	_ =	sdelay $0x3  }
0x37: {  	[smem:$0x3FB9] =	sst s10  }
0x38: {  	s10 =	sld [smem:$0x3FBA]  }
0x39: {  	_ = 	snop;
	(pc) =	sbr.ind lr, $3  }
0x3a: {  	_ = 	snop  }
0x3b: {  	_ = 	snop  }
0x3c: {  	p2 =	seq.s32 s10, $0x1;
	s10 =	sld [smem:$0x3FB9]  }
0x3d: {  	_ =	shalt  }
0x3e: {  	_ =	shalt  }
0x3f: {  	_ =	shalt  }
0x40: {  	_ =	shalt  }
0x41: {  	_ =	shalt  }
0x42: {  	_ =	shalt  }
0x43: {  	_ =	shalt  }
0x44: {  	_ =	shalt  }
0x45: {  	_ =	shalt  }
0x46: {  	_ =	shalt  }
0x47: {  	_ =	shalt  }
0x48: {  	_ =	shalt  }
0x49: {  	_ =	shalt  }
0x4a: {  	_ =	shalt  }
0x4b: {  	_ =	shalt  }
0x4c: {  	_ =	shalt  }
0x4d: {  	_ =	shalt  }
0x4e: {  	_ =	shalt  }
0x4f: {  	_ =	shalt  }
0x50: {  	_ =	shalt  }
0x51: {  	_ =	shalt  }
0x52: {  	_ =	shalt  }
0x53: {  	_ =	shalt  }
0x54: {  	_ =	shalt  }
0x55: {  	_ =	shalt  }
0x56: {  	_ =	shalt  }
0x57: {  	_ =	shalt  }
0x58: {  	_ =	shalt  }
0x59: {  	_ =	shalt  }
0x5a: {  	_ =	shalt  }
0x5b: {  	_ =	shalt  }
0x5c: {  	_ =	shalt  }
0x5d: {  	_ =	shalt  }
0x5e: {  	_ =	shalt  }
0x5f: {  	_ =	shalt  }
0x60: {  	_ =	shalt  }
0x61: {  	_ =	shalt  }
0x62: {  	_ =	shalt  }
0x63: {  	_ =	shalt  }
0x64: {  	_ =	shalt  }
0x65: {  	_ =	shalt  }
0x66: {  	_ =	shalt  }
0x67: {  	_ =	shalt  }
0x68: {  	_ =	shalt  }
0x69: {  	_ =	shalt  }
0x6a: {  	_ =	shalt  }
0x6b: {  	_ =	shalt  }
0x6c: {  	_ =	shalt  }
0x6d: {  	_ =	shalt  }
0x6e: {  	_ =	shalt  }
0x6f: {  	_ =	shalt  }
0x70: {  	_ =	shalt  }
0x71: {  	_ =	shalt  }
0x72: {  	_ =	shalt  }
0x73: {  	_ =	shalt  }
0x74: {  	_ =	shalt  }
0x75: {  	_ =	shalt  }
0x76: {  	_ =	shalt  }
0x77: {  	_ =	shalt  }
0x78: {  	_ =	shalt  }
0x79: {  	_ =	shalt  }
0x7a: {  	_ =	shalt  }
0x7b: {  	_ =	shalt  }
0x7c: {  	_ =	shalt  }
0x7d: {  	_ =	shalt  }
0x7e: {  	_ =	shalt  }
0x7f: {  	_ =	shalt  }
0x80: {  	_ =	shalt  }
0x81: {  	_ =	shalt  }
0x82: {  	_ =	shalt  }
0x83: {  	_ =	shalt  }
0x84: {  	_ =	shalt  }
0x85: {  	_ =	shalt  }
0x86: {  	_ =	shalt  }
0x87: {  	_ =	shalt  }
.Lfunc_end0:
.L_simem_size_0:
called_computation_lowered:
.L_overlay_start_0:
0x88: {  	s2 =	sld [smem:$0x3FD9]  }
0x89: {  	s3 =	sld [smem:$0x3FFE];
	_ =	sdelay $0x1  }
0x8a: {  	s1 =	srdreg.scid  }
0x8b: {  	s0 =	sand.u32 $0x1, s1  }
0x8c: {  	s18 =	sshll.u32 s0, $0xA;
	s2 =	sadd.s32 s3, s2  }
0x8d: {  	s2 =	sadd.s32 s2, s18  }
0x8e: {  	[smem:$0x3FC5] =	sst s2  }
0x8f: {  	_ = 	snop  }
0x90: {  	s2 =	sld [smem:$0x3FC9]  }
0x91: {  	s19 =	sld [smem:$0x3FC8]  }
0x92: {  	s4 =	sld [smem:$0x3FC7]  }
0x93: {  	s5 =	sld [smem:$0x3FD0];
	(tm) =	ssettm $0x1  }
0x94: {  	s6 =	sld [smem:$0x3FFB];
	_ =	sdelay $0x3  }
0x95: {  	_ =	strace s6  }
0x96: {  	s6 =	sld [smem:$0x3FFC];
	_ =	sdelay $0x3  }
0x97: {  	_ =	strace s6  }
0x98: {  	s6 =	sld [smem:$0x3FFD];
	_ =	sdelay $0x3  }
0x99: {  	_ =	strace s6  }
0x9a: {  	_ =	strace $0x8FFFFFFF  }
0x9b: {  	s20 =	sld [smem:$0x3FDB];
	_ =	sdelay $0x1  }
0x9c: {  	s7 =	simm.s32 $_scs_section_size  }
0x9d: {  	s8 =	simm.s32 $_size__tile_overlayer_lowered;
	s9 =	simm.s32 $_tile_overlayer_lowered  }
0x9e: {  	s23 =	simm.s32 $0x1BFF;
	s22 =	sshll.u32 s9, $0x1;
	s6 =	sadd.s32 s7, s20  }
0x9f: {  	s10 =	simm.s32 $0x0;
	s21 =	sshll.u32 s8, $0x1;
	s8 =	sadd.s32 s22, s6  }
0xa0: {  	[timem:s10], [sflag:s23] =	dma.local [hbm:s8], s21  }
0xa1: {  	_ =	swait.ge [sflag:s23], s21  }
0xa2: {  	s7 =	ssub.s32 $0x0, s21;
	[sflag:s23] =	ssyncset.done $0x0  }
0xa3: {  	[sflag:s23] =	ssyncadd.s32 s7;
	_ =	sdelay $0x1  }
0xa4: {  	s24 =	simm.s32 $0x1B8B  }
0xa5: {  	_ =	swait.ge [sflag:s24], $0x1  }
0xa6: {  	[sflag:s24] =	ssyncset.done $0x0  }
0xa7: {  	s25 =	simm.s32 $0x1B8E;
	[sflag:s24] =	ssyncadd.s32 $0xFFFFFFFF  }
0xa8: {  	s26 =	simm.s32 $execute0_lowered;
	[smem:$0x3FD2] =	sst s25  }
0xa9: {  	s7 =	sshll.u32 s26, $0x1;
	_ =	strace $0x80000046;
	[dreg:$0x1] =	wrdreg $0xFFFFFFFF  }
0xaa: {  	s28 =	simm.s32 $_size_execute0_lowered;
	s6 =	sadd.s32 s6, s7;
	[dreg:$0x0] =	wrdreg $0x0  }
0xab: {  	s7 =	sshll.u32 s28, $0x1;
	[dreg:$0x2] =	wrdreg s6  }
0xac: {  	[dreg:$0x3] =	wrdreg s7  }
0xad: {  	[dreg:$0x4] =	wrdreg $0xC0  }
0xae: {  	_ =	task [dreg:s10], $0x5FFFF  }
0xaf: {  	[dreg:$0x1] =	wrdreg $0xFFFFFFFF  }
0xb0: {  	[dreg:$0x0] =	wrdreg $0x60  }
0xb1: {  	[dreg:$0x2] =	wrdreg s2  }
0xb2: {  	[dreg:$0x3] =	wrdreg s19  }
0xb3: {  	[dreg:$0x4] =	wrdreg s4  }
0xb4: {  	[dreg:$0x5] =	wrdreg s5  }
0xb5: {  	[dreg:$0x6] =	wrdreg $0x101000  }
0xb6: {  	[dreg:$0x7] =	wrdreg $0x9  }
0xb7: {  	_ =	task.clear_ibuf [dreg:s10], $0x8FFFF;
	_ =	strace $0x90000046  }
0xb8: {  	s29 =	simm.s32 $0x9;
	_ =	strace $0x80000048  }
0xb9: {  	_ =	swait.ge [sflag:s29], $0x1  }
0xba: {  	[sflag:s29] =	ssyncadd.s32 $0xFFFFFFFF  }
0xbb: {  	_ =	strace $0x90000048  }
0xbc: {  	_ =	sfence  }
0xbd: {  	s30 =	sld [smem:$0x0];
	_ =	sdelay $0x2  }
0xbe: {  	s31 =	sshll.u32 s1, $0xD;
	s1 =	sshrl.u32 s1, $0x2  }
0xbf: {  	s3 =	sand.u32 $0x4000, s31;
	s1 =	sadd.s32 s1, s30  }
0xc0: {  	s0 =	sor.u32 s3, s0;
	s1 =	sshll.u32 s1, $0x11  }
0xc1: {  	s0 =	sor.u32 s1, s0  }
0xc2: {  	s0 =	sadd.s32 $0x8F2B, s0  }
0xc3: {  	[sflag:s0] =	ssyncadd.remote.s32 $0x1  }
0xc4: {  	_ =	sfence.sel $0xFFFF  }
0xc5: {  	[dreg:$0x0] =	wrdreg $0xFFFFFFFF;
	(pc) =	sbr.abs _section_cstart, $3  }
0xc6: {  	[dreg:$0x1] =	wrdreg $0xFFFFFFFF  }
0xc7: {  	_ =	task.clear_ibuf [dreg:s10], $0x2FFFF;
	_ =	strace $0x9FFFFFFF  }
0xc8: {  	(tm) =	ssettm $0x7FFFFFFF  }
0xc9: {  	_ =	shalt  }
tec
execute0_lowered:
.L_overlay_start_1:
0x0: {  	(tag) =	ssettag $0x1  }
0x1: {  	s0 =	rddreg [dreg:$0x0]  }
0x2: {  	s1 =	rddreg [dreg:$0x1]  }
0x3: {  	s2 =	rddreg [dreg:$0x2]  }
0x4: {  	s3 =	rddreg [dreg:$0x3]  }
0x5: {  	s4 =	rddreg [dreg:$0x4];
	s5 =	srdreg.scid  }
0x6: {  	s15 =	simm.s32 $0x0;
	s16 =	stileid.u32;
	s29 =	simm.s32 $0x20  }
0x7: {  	s30 =	simm.s32 $0x12;
	s31 =	simm.s32 $0x13;
	s5 =	sand.u32 $0x1, s5  }
0x8: {  	[smem:$0x7FF] =	sst s15;
	s25 =	sshll.u32 s16, $0x9;
	s9 =	sshrl.u32 s16, $0x2  }
0x9: {  	s10 =	sand.u32 $0x3, s16;
	s6 =	ssub.s32 $0x2, s5;
	_ =	strace $0x80000047  }
0xa: {  	s8 =	sshll.u32 s5, $0x8;
	s26 =	sshll.u32 s9, $0xF;
	s11 =	sshll.u32 s10, $0xF  }
0xb: {  	s5 =	sshll.u32 s5, $0xC;
	s14 =	sshll.u32 s9, $0xD;
	s10 =	sshll.u32 s10, $0xA  }
0xc: {  	s9 =	sshll.u32 s9, $0x7;
	s7 =	sshrl.u32 s6, $0x1;
	s12 =	sadd.s32 s26, s4  }
0xd: {  	s13 =	sshrl.u32 s11, $0x2;
	s2 =	sadd.s32 s2, s5;
	s4 =	sadd.s32 s11, s4  }
0xe: {  	s6 =	ssub.s32 s6, s7;
	s11 =	sadd.s32 $0x2000, s4;
	[dreg:$0x7] =	wrdreg s4  }
0xf: {  	s12 =	sadd.s32 s13, s12;
	s13 =	sadd.s32 $0x3000, s4;
	[dreg:$0xb] =	wrdreg s11  }
0x10: {  	s7 =	sand.u32 $0x600, s25;
	s17 =	sadd.s32 $0x5000, s4;
	[dreg:$0xc] =	wrdreg s13  }
0x11: {  	s2 =	sadd.s32 s14, s2;
	s18 =	sadd.s32 $0x6000, s4;
	[dreg:$0xe] =	wrdreg s17  }
0x12: {  	s19 =	sadd.s32 $0x7000, s4;
	s7 =	sor.u32 s8, s7;
	[dreg:$0xf] =	wrdreg s18  }
0x13: {  	s2 =	sadd.s32 s10, s2;
	s10 =	sadd.s32 $0x1000, s4;
	[dreg:$0x10] =	wrdreg s19  }
0x14: {  	s11 =	simm.s32 $0x2;
	s13 =	simm.s32 $0x3;
	s17 =	simm.s32 $0x5  }
0x15: {  	s18 =	simm.s32 $0xD;
	s19 =	simm.s32 $0x6;
	[dreg:$0x6] =	wrdreg s2  }
0x16: {  	s8 =	simm.s32 $0x18;
	s28 =	sshll.u32 s7, $0x2;
	[dreg:$0xa] =	wrdreg s10  }
0x17: {  	s5 =	sor.u32 s9, s28;
	s9 =	sshll.u32 s16, $0x6;
	s16 =	sadd.s32 $0x4000, s4  }
0x18: {  	s14 =	sshll.u32 s7, $0x4;
	s28 =	sshrl.u32 s12, $0x3;
	[dreg:$0xd] =	wrdreg s16  }
0x19: {  	s2 =	sshrl.u32 s5, $0x3;
	s5 =	sor.u32 $0x1C19, s9;
	[dreg:$0x1a] =	wrdreg s28  }
0x1a: {  	s10 =	simm.s32 $0x9;
	[dreg:$0x8] =	wrdreg s5;
	s0 =	sadd.s32 s0, s2  }
0x1b: {  	[dreg:$0x9] =	wrdreg s0;
	s0 =	sor.u32 s26, s14;
	s26 =	smax.u32 s6, $0x1  }
0x1c: {  	s7 =	simm.s32 $0x17;
	s0 =	sadd.s32 s3, s0;
	[dreg:$0x19] =	wrdreg s26  }
0x1d: {  	s12 =	simm.s32 $0xA;
	s20 =	sadd.s32 $0x200, s0;
	[dreg:$0x11] =	wrdreg s0  }
0x1e: {  	s4 =	simm.s32 $0x15;
	s21 =	sadd.s32 $0x400, s0;
	[dreg:$0x12] =	wrdreg s20  }
0x1f: {  	s16 =	simm.s32 $0xC;
	s22 =	sadd.s32 $0x600, s0;
	[dreg:$0x13] =	wrdreg s21  }
0x20: {  	s9 =	simm.s32 $0xF100;
	s23 =	sadd.s32 $0x800, s0;
	[dreg:$0x14] =	wrdreg s22  }
0x21: {  	s5 =	simm.s32 $0x0;
	s24 =	sadd.s32 $0xA00, s0;
	[dreg:$0x15] =	wrdreg s23  }
0x22: {  	s14 =	simm.s32 $0xB;
	s25 =	sadd.s32 $0xC00, s0;
	[dreg:$0x16] =	wrdreg s24  }
0x23: {  	s6 =	simm.s32 $0x16;
	s0 =	sadd.s32 $0xE00, s0;
	[dreg:$0x17] =	wrdreg s25  }
0x24: {  	s26 =	simm.s32 $0x11;
	[dreg:$0x18] =	wrdreg s0;
	s25 =	simm.s32 $0x4  }
0x25: {  	s20 =	simm.s32 $0xE;
	s21 =	simm.s32 $0x7;
	s22 =	simm.s32 $0xF  }
0x26: {  	s23 =	simm.s32 $0x8;
	s24 =	simm.s32 $0x10;
	s0 =	simm.s32 $0x14  }
.LBB2_1:
0x27: {  	s2 =	rddreg [dreg:$0x6]  }
0x28: {  	s28 =	rddreg [dreg:$0x8]  }
0x29: {  	s3 =	rddreg [dreg:$0x1a]  }
0x2a: {  	[spmem:s3], [sflag:s28] =	dma.local [hbm:s2], $0x400  }
0x2b: {  	s3 =	simm.s32 $0x80;
	s28 =	simm.s32 $0x200;
	s2 =	rddreg [dreg:$0x9]  }
0x2c: {  	[tilespmem:s15], [sflag:$0x1A] =	stream.strided.gather [hbm4b:s2+s3], $0x100, s28, s3, $0x38;
	[tilespmem:$0x12100] =	vst v63  }
0x2d: {  	s2 =	simm.s32 $0x1A  }
0x2e: {  	_ =	swait.ge [sflag:s2], $0x100  }
0x2f: {  	[sflag:s2] =	ssyncset.done $0x0  }
0x30: {  	[sflag:s2] =	ssyncadd.s32 $0xFFFFFF00;
	s2 =	simm.s32 $0x100  }
0x31: {  	[tilespmem:s2], [sflag:$0x1] =	stream.indirect.gather [hbm4b:s1+s29], $0x80, s15, s29, $0xb8;
	[tilespmem:$0x12100] =	vst v63  }
0x32: {  	s15 =	simm.s32 $0x1100  }
0x33: {  	[tilespmem:s15], [sflag:$0x2] =	stream.indirect.gather [hbm4b:s1+s29], $0x80, s29, s29, $0xb8;
	[tilespmem:$0x12100] =	vst v63  }
0x34: {  	s2 =	simm.s32 $0x40;
	s15 =	simm.s32 $0x2100  }
0x35: {  	[tilespmem:s15], [sflag:$0x3] =	stream.indirect.gather [hbm4b:s1+s29], $0x80, s2, s29, $0xb8;
	[tilespmem:$0x12100] =	vst v63  }
0x36: {  	s2 =	simm.s32 $0x60;
	s15 =	simm.s32 $0x3100  }
0x37: {  	[tilespmem:s15], [sflag:$0x4] =	stream.indirect.gather [hbm4b:s1+s29], $0x80, s2, s29, $0xb8;
	[tilespmem:$0x12100] =	vst v63  }
0x38: {  	s15 =	simm.s32 $0x4100  }
0x39: {  	[tilespmem:s15], [sflag:$0x5] =	stream.indirect.gather [hbm4b:s1+s29], $0x80, s3, s29, $0xb8;
	[tilespmem:$0x12100] =	vst v63  }
0x3a: {  	s3 =	simm.s32 $0xA0;
	s15 =	simm.s32 $0x5100  }
0x3b: {  	[tilespmem:s15], [sflag:$0x6] =	stream.indirect.gather [hbm4b:s1+s29], $0x80, s3, s29, $0xb8;
	[tilespmem:$0x12100] =	vst v63  }
0x3c: {  	s3 =	simm.s32 $0xC0;
	s15 =	simm.s32 $0x6100  }
0x3d: {  	[tilespmem:s15], [sflag:$0x7] =	stream.indirect.gather [hbm4b:s1+s29], $0x80, s3, s29, $0xb8;
	[tilespmem:$0x12100] =	vst v63  }
0x3e: {  	s3 =	simm.s32 $0xE0;
	s15 =	simm.s32 $0x7100  }
0x3f: {  	[tilespmem:s15], [sflag:$0x8] =	stream.indirect.gather [hbm4b:s1+s29], $0x80, s3, s29, $0xb8;
	[tilespmem:$0x12100] =	vst v63  }
0x40: {  	s15 =	simm.s32 $0x19  }
0x41: {  	_ =	swait.ge [sflag:s15], $0x400  }
0x42: {  	[sflag:s15] =	ssyncset.done $0x0  }
0x43: {  	[sflag:s15] =	ssyncadd.s32 $0xFFFFFC00  }
0x44: {  	[bflag:$0x0] =	sbarrier.arrive $0xFFFF  }
0x45: {  	s3 =	simm.s32 $0x8100;
	s15 =	rddreg [dreg:$0x7]  }
0x46: {  	[tilespmem:s3], [sflag:$0x9] =	stream.linear.gather [spmem:s15], $0x1000, $0x38;
	[tilespmem:$0x12100] =	vst v63  }
0x47: {  	s28 =	simm.s32 $0x9100;
	s15 =	rddreg [dreg:$0xa]  }
0x48: {  	[tilespmem:s28], [sflag:$0xA] =	stream.linear.gather [spmem:s15], $0x1000, $0x38;
	[tilespmem:$0x12100] =	vst v63  }
0x49: {  	s2 =	rddreg [dreg:$0xb];
	s15 =	simm.s32 $0xA100  }
0x4a: {  	[tilespmem:s15], [sflag:$0xB] =	stream.linear.gather [spmem:s2], $0x1000, $0x38;
	[tilespmem:$0x12100] =	vst v63  }
0x4b: {  	s2 =	rddreg [dreg:$0xc];
	s15 =	simm.s32 $0xB100  }
0x4c: {  	[tilespmem:s15], [sflag:$0xC] =	stream.linear.gather [spmem:s2], $0x1000, $0x38;
	[tilespmem:$0x12100] =	vst v63  }
0x4d: {  	s2 =	rddreg [dreg:$0xd];
	s15 =	simm.s32 $0xC100  }
0x4e: {  	[tilespmem:s15], [sflag:$0xD] =	stream.linear.gather [spmem:s2], $0x1000, $0x38;
	[tilespmem:$0x12100] =	vst v63  }
0x4f: {  	s2 =	rddreg [dreg:$0xe];
	s15 =	simm.s32 $0xD100  }
0x50: {  	[tilespmem:s15], [sflag:$0xE] =	stream.linear.gather [spmem:s2], $0x1000, $0x38;
	[tilespmem:$0x12100] =	vst v63  }
0x51: {  	s2 =	rddreg [dreg:$0xf];
	s15 =	simm.s32 $0xE100  }
0x52: {  	[tilespmem:s15], [sflag:$0xF] =	stream.linear.gather [spmem:s2], $0x1000, $0x38;
	[tilespmem:$0x12100] =	vst v63  }
0x53: {  	s15 =	rddreg [dreg:$0x10]  }
0x54: {  	[tilespmem:s9], [sflag:$0x10] =	stream.linear.gather [spmem:s15], $0x1000, $0x38;
	[tilespmem:$0x12100] =	vst v63  }
0x55: {  	s15 =	simm.s32 $0x1  }
0x56: {  	_ =	swait.ge [sflag:s15], $0x1000  }
0x57: {  	[sflag:s15] =	ssyncset.done $0x0  }
0x58: {  	[sflag:s15] =	ssyncadd.s32 $0xFFFFF000  }
0x59: {  	_ =	swait.ge [sflag:s10], $0x1000  }
0x5a: {  	[sflag:s10] =	ssyncset.done $0x0  }
0x5b: {  	s2 =	simm.s32 $0x200;
	s15 =	simm.s32 $0x0;
	[sflag:s10] =	ssyncadd.s32 $0xFFFFF000  }
.LBB2_2:
0x5c: {  	p0 =	sne.s32 s2, $0x3E00;
	v0 =	vld [tilespmem:s15+$0x170]  }
0x5d: {  	v1 =	vld [tilespmem:s15+$0x100]  }
0x5e: {  	v2 =	vld [tilespmem:s15+$0x110]  }
0x5f: {  	v3 =	vld [tilespmem:s15+$0x120]  }
0x60: {  	v4 =	vld [tilespmem:s15+$0x130]  }
0x61: {  	[tilespmem:s15+$0x8170] =	vst.add.f32.msk $0xffff, v0  }
0x62: {  	v0 =	vld [tilespmem:s15+$0x140]  }
0x63: {  	v5 =	vld [tilespmem:s15+$0x150]  }
0x64: {  	v6 =	vld [tilespmem:s15+$0x160]  }
0x65: {  	[tilespmem:s15+$0x8100] =	vst.add.f32.msk $0xffff, v1  }
0x66: {  	[tilespmem:s15+$0x8110] =	vst.add.f32.msk $0xffff, v2  }
.Ltmp0:
0x67: {  	[tilespmem:s15+$0x8120] =	vst.add.f32.msk $0xffff, v3;
	(pc) =	sbr.rel @p0 .LBB2_2-.Ltmp0, $4  }
0x68: {  	[tilespmem:s15+$0x8130] =	vst.add.f32.msk $0xffff, v4  }
0x69: {  	[tilespmem:s15+$0x8140] =	vst.add.f32.msk $0xffff, v0  }
0x6a: {  	[tilespmem:s15+$0x8150] =	vst.add.f32.msk $0xffff, v5  }
0x6b: {  	[tilespmem:s15+$0x8160] =	vst.add.f32.msk $0xffff, v6;
	s15 =	sshra.s32 s2, $0x2;
	s2 =	sadd.s32 $0x200, s2  }
0x6c: {  	v0 =	vld [tilespmem:s15+$0x170]  }
0x6d: {  	v1 =	vld [tilespmem:s15+$0x100]  }
0x6e: {  	v2 =	vld [tilespmem:s15+$0x110]  }
0x6f: {  	v3 =	vld [tilespmem:s15+$0x120]  }
0x70: {  	v4 =	vld [tilespmem:s15+$0x130]  }
0x71: {  	v63 =	vld [tilespmem:s15+$0x140]  }
0x72: {  	v5 =	vld [tilespmem:s15+$0x150]  }
0x73: {  	v6 =	vld [tilespmem:s15+$0x160]  }
0x74: {  	[tilespmem:s15+$0x8170] =	vst.add.f32.msk $0xffff, v0  }
0x75: {  	[tilespmem:s15+$0x8100] =	vst.add.f32.msk $0xffff, v1  }
0x76: {  	[tilespmem:s15+$0x8110] =	vst.add.f32.msk $0xffff, v2  }
0x77: {  	[tilespmem:s15+$0x8120] =	vst.add.f32.msk $0xffff, v3  }
0x78: {  	[tilespmem:s15+$0x8130] =	vst.add.f32.msk $0xffff, v4  }
0x79: {  	[tilespmem:s15+$0x8140] =	vst.add.f32.msk $0xffff, v63  }
0x7a: {  	[tilespmem:s15+$0x8150] =	vst.add.f32.msk $0xffff, v5  }
0x7b: {  	s2 =	simm.s32 $0x0;
	[tilespmem:s15+$0x8160] =	vst.add.f32.msk $0xffff, v6;
	s15 =	rddreg [dreg:$0x11]  }
0x7c: {  	[hbm4b:s15+s2] =	stream.linear.scatter [tilespmem:s3], [sflag:$0x11], $0x1000, $0x38;
	[tilespmem:$0x12100] =	vst v63  }
0x7d: {  	_ =	swait.ge [sflag:s11], $0x1000  }
0x7e: {  	[sflag:s11] =	ssyncset.done $0x0  }
0x7f: {  	[sflag:s11] =	ssyncadd.s32 $0xFFFFF000  }
0x80: {  	_ =	swait.ge [sflag:s12], $0x1000  }
0x81: {  	[sflag:s12] =	ssyncset.done $0x0  }
0x82: {  	s15 =	simm.s32 $0x0;
	s2 =	simm.s32 $0x200;
	[sflag:s12] =	ssyncadd.s32 $0xFFFFF000  }
.LBB2_4:
0x83: {  	p0 =	sne.s32 s2, $0x3E00;
	v0 =	vld [tilespmem:s15+$0x1170]  }
0x84: {  	v1 =	vld [tilespmem:s15+$0x1100]  }
0x85: {  	v2 =	vld [tilespmem:s15+$0x1110]  }
0x86: {  	v3 =	vld [tilespmem:s15+$0x1120]  }
0x87: {  	v4 =	vld [tilespmem:s15+$0x1130]  }
0x88: {  	[tilespmem:s15+$0x9170] =	vst.add.f32.msk $0xffff, v0  }
0x89: {  	v0 =	vld [tilespmem:s15+$0x1140]  }
0x8a: {  	v5 =	vld [tilespmem:s15+$0x1150]  }
0x8b: {  	v6 =	vld [tilespmem:s15+$0x1160]  }
0x8c: {  	[tilespmem:s15+$0x9100] =	vst.add.f32.msk $0xffff, v1  }
0x8d: {  	[tilespmem:s15+$0x9110] =	vst.add.f32.msk $0xffff, v2  }
.Ltmp1:
0x8e: {  	[tilespmem:s15+$0x9120] =	vst.add.f32.msk $0xffff, v3;
	(pc) =	sbr.rel @p0 .LBB2_4-.Ltmp1, $4  }
0x8f: {  	[tilespmem:s15+$0x9130] =	vst.add.f32.msk $0xffff, v4  }
0x90: {  	[tilespmem:s15+$0x9140] =	vst.add.f32.msk $0xffff, v0  }
0x91: {  	[tilespmem:s15+$0x9150] =	vst.add.f32.msk $0xffff, v5  }
0x92: {  	[tilespmem:s15+$0x9160] =	vst.add.f32.msk $0xffff, v6;
	s15 =	sshra.s32 s2, $0x2;
	s2 =	sadd.s32 $0x200, s2  }
0x93: {  	v0 =	vld [tilespmem:s15+$0x1170]  }
0x94: {  	v1 =	vld [tilespmem:s15+$0x1100]  }
0x95: {  	v2 =	vld [tilespmem:s15+$0x1110]  }
0x96: {  	v3 =	vld [tilespmem:s15+$0x1120]  }
0x97: {  	v4 =	vld [tilespmem:s15+$0x1130]  }
0x98: {  	v63 =	vld [tilespmem:s15+$0x1140]  }
0x99: {  	v5 =	vld [tilespmem:s15+$0x1150]  }
0x9a: {  	v6 =	vld [tilespmem:s15+$0x1160]  }
0x9b: {  	[tilespmem:s15+$0x9170] =	vst.add.f32.msk $0xffff, v0  }
0x9c: {  	[tilespmem:s15+$0x9100] =	vst.add.f32.msk $0xffff, v1  }
0x9d: {  	[tilespmem:s15+$0x9110] =	vst.add.f32.msk $0xffff, v2  }
0x9e: {  	[tilespmem:s15+$0x9120] =	vst.add.f32.msk $0xffff, v3  }
0x9f: {  	[tilespmem:s15+$0x9130] =	vst.add.f32.msk $0xffff, v4  }
0xa0: {  	[tilespmem:s15+$0x9140] =	vst.add.f32.msk $0xffff, v63  }
0xa1: {  	[tilespmem:s15+$0x9150] =	vst.add.f32.msk $0xffff, v5  }
0xa2: {  	s2 =	simm.s32 $0x0;
	s3 =	rddreg [dreg:$0x12];
	[tilespmem:s15+$0x9160] =	vst.add.f32.msk $0xffff, v6  }
0xa3: {  	[hbm4b:s3+s2] =	stream.linear.scatter [tilespmem:s28], [sflag:$0x12], $0x1000, $0x38;
	[tilespmem:$0x12100] =	vst v63  }
0xa4: {  	_ =	swait.ge [sflag:s13], $0x1000  }
0xa5: {  	[sflag:s13] =	ssyncset.done $0x0  }
0xa6: {  	[sflag:s13] =	ssyncadd.s32 $0xFFFFF000  }
0xa7: {  	_ =	swait.ge [sflag:s14], $0x1000  }
0xa8: {  	[sflag:s14] =	ssyncset.done $0x0  }
0xa9: {  	s15 =	simm.s32 $0x0;
	s2 =	simm.s32 $0x200;
	[sflag:s14] =	ssyncadd.s32 $0xFFFFF000  }
.LBB2_6:
0xaa: {  	p0 =	sne.s32 s2, $0x3E00;
	v0 =	vld [tilespmem:s15+$0x2170]  }
0xab: {  	v1 =	vld [tilespmem:s15+$0x2100]  }
0xac: {  	v2 =	vld [tilespmem:s15+$0x2110]  }
0xad: {  	v3 =	vld [tilespmem:s15+$0x2120]  }
0xae: {  	v4 =	vld [tilespmem:s15+$0x2130]  }
0xaf: {  	[tilespmem:s15+$0xA170] =	vst.add.f32.msk $0xffff, v0  }
0xb0: {  	v0 =	vld [tilespmem:s15+$0x2140]  }
0xb1: {  	v5 =	vld [tilespmem:s15+$0x2150]  }
0xb2: {  	v6 =	vld [tilespmem:s15+$0x2160]  }
0xb3: {  	[tilespmem:s15+$0xA100] =	vst.add.f32.msk $0xffff, v1  }
0xb4: {  	[tilespmem:s15+$0xA110] =	vst.add.f32.msk $0xffff, v2  }
.Ltmp2:
0xb5: {  	[tilespmem:s15+$0xA120] =	vst.add.f32.msk $0xffff, v3;
	(pc) =	sbr.rel @p0 .LBB2_6-.Ltmp2, $4  }
0xb6: {  	[tilespmem:s15+$0xA130] =	vst.add.f32.msk $0xffff, v4  }
0xb7: {  	[tilespmem:s15+$0xA140] =	vst.add.f32.msk $0xffff, v0  }
0xb8: {  	[tilespmem:s15+$0xA150] =	vst.add.f32.msk $0xffff, v5  }
0xb9: {  	[tilespmem:s15+$0xA160] =	vst.add.f32.msk $0xffff, v6;
	s15 =	sshra.s32 s2, $0x2;
	s2 =	sadd.s32 $0x200, s2  }
0xba: {  	v0 =	vld [tilespmem:s15+$0x2170]  }
0xbb: {  	v1 =	vld [tilespmem:s15+$0x2100]  }
0xbc: {  	v2 =	vld [tilespmem:s15+$0x2110]  }
0xbd: {  	v3 =	vld [tilespmem:s15+$0x2120]  }
0xbe: {  	v4 =	vld [tilespmem:s15+$0x2130]  }
0xbf: {  	v63 =	vld [tilespmem:s15+$0x2140]  }
0xc0: {  	v5 =	vld [tilespmem:s15+$0x2150]  }
0xc1: {  	v6 =	vld [tilespmem:s15+$0x2160]  }
0xc2: {  	[tilespmem:s15+$0xA170] =	vst.add.f32.msk $0xffff, v0  }
0xc3: {  	[tilespmem:s15+$0xA100] =	vst.add.f32.msk $0xffff, v1  }
0xc4: {  	[tilespmem:s15+$0xA110] =	vst.add.f32.msk $0xffff, v2  }
0xc5: {  	[tilespmem:s15+$0xA120] =	vst.add.f32.msk $0xffff, v3  }
0xc6: {  	[tilespmem:s15+$0xA130] =	vst.add.f32.msk $0xffff, v4  }
0xc7: {  	[tilespmem:s15+$0xA140] =	vst.add.f32.msk $0xffff, v63  }
0xc8: {  	[tilespmem:s15+$0xA150] =	vst.add.f32.msk $0xffff, v5  }
0xc9: {  	s2 =	simm.s32 $0x0;
	s28 =	rddreg [dreg:$0x13];
	s3 =	simm.s32 $0xA100;
	[tilespmem:s15+$0xA160] =	vst.add.f32.msk $0xffff, v6  }
0xca: {  	[hbm4b:s28+s2] =	stream.linear.scatter [tilespmem:s3], [sflag:$0x13], $0x1000, $0x38;
	[tilespmem:$0x12100] =	vst v63  }
0xcb: {  	_ =	swait.ge [sflag:s25], $0x1000  }
0xcc: {  	[sflag:s25] =	ssyncset.done $0x0  }
0xcd: {  	[sflag:s25] =	ssyncadd.s32 $0xFFFFF000  }
0xce: {  	_ =	swait.ge [sflag:s16], $0x1000  }
0xcf: {  	[sflag:s16] =	ssyncset.done $0x0  }
0xd0: {  	s15 =	simm.s32 $0x0;
	s2 =	simm.s32 $0x200;
	[sflag:s16] =	ssyncadd.s32 $0xFFFFF000  }
.LBB2_8:
0xd1: {  	p0 =	sne.s32 s2, $0x3E00;
	v0 =	vld [tilespmem:s15+$0x3170]  }
0xd2: {  	v1 =	vld [tilespmem:s15+$0x3100]  }
0xd3: {  	v2 =	vld [tilespmem:s15+$0x3110]  }
0xd4: {  	v3 =	vld [tilespmem:s15+$0x3120]  }
0xd5: {  	v4 =	vld [tilespmem:s15+$0x3130]  }
0xd6: {  	[tilespmem:s15+$0xB170] =	vst.add.f32.msk $0xffff, v0  }
0xd7: {  	v0 =	vld [tilespmem:s15+$0x3140]  }
0xd8: {  	v5 =	vld [tilespmem:s15+$0x3150]  }
0xd9: {  	v6 =	vld [tilespmem:s15+$0x3160]  }
0xda: {  	[tilespmem:s15+$0xB100] =	vst.add.f32.msk $0xffff, v1  }
0xdb: {  	[tilespmem:s15+$0xB110] =	vst.add.f32.msk $0xffff, v2  }
.Ltmp3:
0xdc: {  	[tilespmem:s15+$0xB120] =	vst.add.f32.msk $0xffff, v3;
	(pc) =	sbr.rel @p0 .LBB2_8-.Ltmp3, $4  }
0xdd: {  	[tilespmem:s15+$0xB130] =	vst.add.f32.msk $0xffff, v4  }
0xde: {  	[tilespmem:s15+$0xB140] =	vst.add.f32.msk $0xffff, v0  }
0xdf: {  	[tilespmem:s15+$0xB150] =	vst.add.f32.msk $0xffff, v5  }
0xe0: {  	[tilespmem:s15+$0xB160] =	vst.add.f32.msk $0xffff, v6;
	s15 =	sshra.s32 s2, $0x2;
	s2 =	sadd.s32 $0x200, s2  }
0xe1: {  	v0 =	vld [tilespmem:s15+$0x3170]  }
0xe2: {  	v1 =	vld [tilespmem:s15+$0x3100]  }
0xe3: {  	v2 =	vld [tilespmem:s15+$0x3110]  }
0xe4: {  	v3 =	vld [tilespmem:s15+$0x3120]  }
0xe5: {  	v4 =	vld [tilespmem:s15+$0x3130]  }
0xe6: {  	v63 =	vld [tilespmem:s15+$0x3140]  }
0xe7: {  	v5 =	vld [tilespmem:s15+$0x3150]  }
0xe8: {  	v6 =	vld [tilespmem:s15+$0x3160]  }
0xe9: {  	[tilespmem:s15+$0xB170] =	vst.add.f32.msk $0xffff, v0  }
0xea: {  	[tilespmem:s15+$0xB100] =	vst.add.f32.msk $0xffff, v1  }
0xeb: {  	[tilespmem:s15+$0xB110] =	vst.add.f32.msk $0xffff, v2  }
0xec: {  	[tilespmem:s15+$0xB120] =	vst.add.f32.msk $0xffff, v3  }
0xed: {  	[tilespmem:s15+$0xB130] =	vst.add.f32.msk $0xffff, v4  }
0xee: {  	[tilespmem:s15+$0xB140] =	vst.add.f32.msk $0xffff, v63  }
0xef: {  	[tilespmem:s15+$0xB150] =	vst.add.f32.msk $0xffff, v5  }
0xf0: {  	s2 =	simm.s32 $0x0;
	s28 =	rddreg [dreg:$0x14];
	s3 =	simm.s32 $0xB100;
	[tilespmem:s15+$0xB160] =	vst.add.f32.msk $0xffff, v6  }
0xf1: {  	[hbm4b:s28+s2] =	stream.linear.scatter [tilespmem:s3], [sflag:$0x14], $0x1000, $0x38;
	[tilespmem:$0x12100] =	vst v63  }
0xf2: {  	_ =	swait.ge [sflag:s17], $0x1000  }
0xf3: {  	[sflag:s17] =	ssyncset.done $0x0  }
0xf4: {  	[sflag:s17] =	ssyncadd.s32 $0xFFFFF000  }
0xf5: {  	_ =	swait.ge [sflag:s18], $0x1000  }
0xf6: {  	[sflag:s18] =	ssyncset.done $0x0  }
0xf7: {  	s15 =	simm.s32 $0x0;
	s2 =	simm.s32 $0x200;
	[sflag:s18] =	ssyncadd.s32 $0xFFFFF000  }
.LBB2_10:
0xf8: {  	p0 =	sne.s32 s2, $0x3E00;
	v0 =	vld [tilespmem:s15+$0x4170]  }
0xf9: {  	v1 =	vld [tilespmem:s15+$0x4100]  }
0xfa: {  	v2 =	vld [tilespmem:s15+$0x4110]  }
0xfb: {  	v3 =	vld [tilespmem:s15+$0x4120]  }
0xfc: {  	v4 =	vld [tilespmem:s15+$0x4130]  }
0xfd: {  	[tilespmem:s15+$0xC170] =	vst.add.f32.msk $0xffff, v0  }
0xfe: {  	v0 =	vld [tilespmem:s15+$0x4140]  }
0xff: {  	v5 =	vld [tilespmem:s15+$0x4150]  }
0x100: {  	v6 =	vld [tilespmem:s15+$0x4160]  }
0x101: {  	[tilespmem:s15+$0xC100] =	vst.add.f32.msk $0xffff, v1  }
0x102: {  	[tilespmem:s15+$0xC110] =	vst.add.f32.msk $0xffff, v2  }
.Ltmp4:
0x103: {  	[tilespmem:s15+$0xC120] =	vst.add.f32.msk $0xffff, v3;
	(pc) =	sbr.rel @p0 .LBB2_10-.Ltmp4, $4  }
0x104: {  	[tilespmem:s15+$0xC130] =	vst.add.f32.msk $0xffff, v4  }
0x105: {  	[tilespmem:s15+$0xC140] =	vst.add.f32.msk $0xffff, v0  }
0x106: {  	[tilespmem:s15+$0xC150] =	vst.add.f32.msk $0xffff, v5  }
0x107: {  	[tilespmem:s15+$0xC160] =	vst.add.f32.msk $0xffff, v6;
	s15 =	sshra.s32 s2, $0x2;
	s2 =	sadd.s32 $0x200, s2  }
0x108: {  	v0 =	vld [tilespmem:s15+$0x4170]  }
0x109: {  	v1 =	vld [tilespmem:s15+$0x4100]  }
0x10a: {  	v2 =	vld [tilespmem:s15+$0x4110]  }
0x10b: {  	v3 =	vld [tilespmem:s15+$0x4120]  }
0x10c: {  	v4 =	vld [tilespmem:s15+$0x4130]  }
0x10d: {  	v63 =	vld [tilespmem:s15+$0x4140]  }
0x10e: {  	v5 =	vld [tilespmem:s15+$0x4150]  }
0x10f: {  	v6 =	vld [tilespmem:s15+$0x4160]  }
0x110: {  	[tilespmem:s15+$0xC170] =	vst.add.f32.msk $0xffff, v0  }
0x111: {  	[tilespmem:s15+$0xC100] =	vst.add.f32.msk $0xffff, v1  }
0x112: {  	[tilespmem:s15+$0xC110] =	vst.add.f32.msk $0xffff, v2  }
0x113: {  	[tilespmem:s15+$0xC120] =	vst.add.f32.msk $0xffff, v3  }
0x114: {  	[tilespmem:s15+$0xC130] =	vst.add.f32.msk $0xffff, v4  }
0x115: {  	[tilespmem:s15+$0xC140] =	vst.add.f32.msk $0xffff, v63  }
0x116: {  	[tilespmem:s15+$0xC150] =	vst.add.f32.msk $0xffff, v5  }
0x117: {  	s2 =	simm.s32 $0x0;
	s28 =	rddreg [dreg:$0x15];
	s3 =	simm.s32 $0xC100;
	[tilespmem:s15+$0xC160] =	vst.add.f32.msk $0xffff, v6  }
0x118: {  	[hbm4b:s28+s2] =	stream.linear.scatter [tilespmem:s3], [sflag:$0x15], $0x1000, $0x38;
	[tilespmem:$0x12100] =	vst v63  }
0x119: {  	_ =	swait.ge [sflag:s19], $0x1000  }
0x11a: {  	[sflag:s19] =	ssyncset.done $0x0  }
0x11b: {  	[sflag:s19] =	ssyncadd.s32 $0xFFFFF000  }
0x11c: {  	_ =	swait.ge [sflag:s20], $0x1000  }
0x11d: {  	[sflag:s20] =	ssyncset.done $0x0  }
0x11e: {  	s15 =	simm.s32 $0x0;
	s2 =	simm.s32 $0x200;
	[sflag:s20] =	ssyncadd.s32 $0xFFFFF000  }
.LBB2_12:
0x11f: {  	p0 =	sne.s32 s2, $0x3E00;
	v0 =	vld [tilespmem:s15+$0x5170]  }
0x120: {  	v1 =	vld [tilespmem:s15+$0x5100]  }
0x121: {  	v2 =	vld [tilespmem:s15+$0x5110]  }
0x122: {  	v3 =	vld [tilespmem:s15+$0x5120]  }
0x123: {  	v4 =	vld [tilespmem:s15+$0x5130]  }
0x124: {  	[tilespmem:s15+$0xD170] =	vst.add.f32.msk $0xffff, v0  }
0x125: {  	v0 =	vld [tilespmem:s15+$0x5140]  }
0x126: {  	v5 =	vld [tilespmem:s15+$0x5150]  }
0x127: {  	v6 =	vld [tilespmem:s15+$0x5160]  }
0x128: {  	[tilespmem:s15+$0xD100] =	vst.add.f32.msk $0xffff, v1  }
0x129: {  	[tilespmem:s15+$0xD110] =	vst.add.f32.msk $0xffff, v2  }
.Ltmp5:
0x12a: {  	[tilespmem:s15+$0xD120] =	vst.add.f32.msk $0xffff, v3;
	(pc) =	sbr.rel @p0 .LBB2_12-.Ltmp5, $4  }
0x12b: {  	[tilespmem:s15+$0xD130] =	vst.add.f32.msk $0xffff, v4  }
0x12c: {  	[tilespmem:s15+$0xD140] =	vst.add.f32.msk $0xffff, v0  }
0x12d: {  	[tilespmem:s15+$0xD150] =	vst.add.f32.msk $0xffff, v5  }
0x12e: {  	[tilespmem:s15+$0xD160] =	vst.add.f32.msk $0xffff, v6;
	s15 =	sshra.s32 s2, $0x2;
	s2 =	sadd.s32 $0x200, s2  }
0x12f: {  	v0 =	vld [tilespmem:s15+$0x5170]  }
0x130: {  	v1 =	vld [tilespmem:s15+$0x5100]  }
0x131: {  	v2 =	vld [tilespmem:s15+$0x5110]  }
0x132: {  	v3 =	vld [tilespmem:s15+$0x5120]  }
0x133: {  	v4 =	vld [tilespmem:s15+$0x5130]  }
0x134: {  	v63 =	vld [tilespmem:s15+$0x5140]  }
0x135: {  	v5 =	vld [tilespmem:s15+$0x5150]  }
0x136: {  	v6 =	vld [tilespmem:s15+$0x5160]  }
0x137: {  	[tilespmem:s15+$0xD170] =	vst.add.f32.msk $0xffff, v0  }
0x138: {  	[tilespmem:s15+$0xD100] =	vst.add.f32.msk $0xffff, v1  }
0x139: {  	[tilespmem:s15+$0xD110] =	vst.add.f32.msk $0xffff, v2  }
0x13a: {  	[tilespmem:s15+$0xD120] =	vst.add.f32.msk $0xffff, v3  }
0x13b: {  	[tilespmem:s15+$0xD130] =	vst.add.f32.msk $0xffff, v4  }
0x13c: {  	[tilespmem:s15+$0xD140] =	vst.add.f32.msk $0xffff, v63  }
0x13d: {  	[tilespmem:s15+$0xD150] =	vst.add.f32.msk $0xffff, v5  }
0x13e: {  	s2 =	simm.s32 $0x0;
	s28 =	rddreg [dreg:$0x16];
	s3 =	simm.s32 $0xD100;
	[tilespmem:s15+$0xD160] =	vst.add.f32.msk $0xffff, v6  }
0x13f: {  	[hbm4b:s28+s2] =	stream.linear.scatter [tilespmem:s3], [sflag:$0x16], $0x1000, $0x38;
	[tilespmem:$0x12100] =	vst v63  }
0x140: {  	_ =	swait.ge [sflag:s21], $0x1000  }
0x141: {  	[sflag:s21] =	ssyncset.done $0x0  }
0x142: {  	[sflag:s21] =	ssyncadd.s32 $0xFFFFF000  }
0x143: {  	_ =	swait.ge [sflag:s22], $0x1000  }
0x144: {  	[sflag:s22] =	ssyncset.done $0x0  }
0x145: {  	s15 =	simm.s32 $0x0;
	s2 =	simm.s32 $0x200;
	[sflag:s22] =	ssyncadd.s32 $0xFFFFF000  }
.LBB2_14:
0x146: {  	p0 =	sne.s32 s2, $0x3E00;
	v0 =	vld [tilespmem:s15+$0x6170]  }
0x147: {  	v1 =	vld [tilespmem:s15+$0x6100]  }
0x148: {  	v2 =	vld [tilespmem:s15+$0x6110]  }
0x149: {  	v3 =	vld [tilespmem:s15+$0x6120]  }
0x14a: {  	v4 =	vld [tilespmem:s15+$0x6130]  }
0x14b: {  	[tilespmem:s15+$0xE170] =	vst.add.f32.msk $0xffff, v0  }
0x14c: {  	v0 =	vld [tilespmem:s15+$0x6140]  }
0x14d: {  	v5 =	vld [tilespmem:s15+$0x6150]  }
0x14e: {  	v6 =	vld [tilespmem:s15+$0x6160]  }
0x14f: {  	[tilespmem:s15+$0xE100] =	vst.add.f32.msk $0xffff, v1  }
0x150: {  	[tilespmem:s15+$0xE110] =	vst.add.f32.msk $0xffff, v2  }
.Ltmp6:
0x151: {  	[tilespmem:s15+$0xE120] =	vst.add.f32.msk $0xffff, v3;
	(pc) =	sbr.rel @p0 .LBB2_14-.Ltmp6, $4  }
0x152: {  	[tilespmem:s15+$0xE130] =	vst.add.f32.msk $0xffff, v4  }
0x153: {  	[tilespmem:s15+$0xE140] =	vst.add.f32.msk $0xffff, v0  }
0x154: {  	[tilespmem:s15+$0xE150] =	vst.add.f32.msk $0xffff, v5  }
0x155: {  	[tilespmem:s15+$0xE160] =	vst.add.f32.msk $0xffff, v6;
	s15 =	sshra.s32 s2, $0x2;
	s2 =	sadd.s32 $0x200, s2  }
0x156: {  	v0 =	vld [tilespmem:s15+$0x6170]  }
0x157: {  	v1 =	vld [tilespmem:s15+$0x6100]  }
0x158: {  	v2 =	vld [tilespmem:s15+$0x6110]  }
0x159: {  	v3 =	vld [tilespmem:s15+$0x6120]  }
0x15a: {  	v4 =	vld [tilespmem:s15+$0x6130]  }
0x15b: {  	v63 =	vld [tilespmem:s15+$0x6140]  }
0x15c: {  	v5 =	vld [tilespmem:s15+$0x6150]  }
0x15d: {  	v6 =	vld [tilespmem:s15+$0x6160]  }
0x15e: {  	[tilespmem:s15+$0xE170] =	vst.add.f32.msk $0xffff, v0  }
0x15f: {  	[tilespmem:s15+$0xE100] =	vst.add.f32.msk $0xffff, v1  }
0x160: {  	[tilespmem:s15+$0xE110] =	vst.add.f32.msk $0xffff, v2  }
0x161: {  	[tilespmem:s15+$0xE120] =	vst.add.f32.msk $0xffff, v3  }
0x162: {  	[tilespmem:s15+$0xE130] =	vst.add.f32.msk $0xffff, v4  }
0x163: {  	[tilespmem:s15+$0xE140] =	vst.add.f32.msk $0xffff, v63  }
0x164: {  	[tilespmem:s15+$0xE150] =	vst.add.f32.msk $0xffff, v5  }
0x165: {  	s2 =	simm.s32 $0x0;
	s28 =	rddreg [dreg:$0x17];
	s3 =	simm.s32 $0xE100;
	[tilespmem:s15+$0xE160] =	vst.add.f32.msk $0xffff, v6  }
0x166: {  	[hbm4b:s28+s2] =	stream.linear.scatter [tilespmem:s3], [sflag:$0x17], $0x1000, $0x38;
	[tilespmem:$0x12100] =	vst v63  }
0x167: {  	_ =	swait.ge [sflag:s23], $0x1000  }
0x168: {  	[sflag:s23] =	ssyncset.done $0x0  }
0x169: {  	[sflag:s23] =	ssyncadd.s32 $0xFFFFF000  }
0x16a: {  	_ =	swait.ge [sflag:s24], $0x1000  }
0x16b: {  	[sflag:s24] =	ssyncset.done $0x0  }
0x16c: {  	s15 =	simm.s32 $0x0;
	s2 =	simm.s32 $0x200;
	[sflag:s24] =	ssyncadd.s32 $0xFFFFF000  }
.LBB2_16:
0x16d: {  	p0 =	sne.s32 s2, $0x3E00;
	v0 =	vld [tilespmem:s15+$0x7170]  }
0x16e: {  	v1 =	vld [tilespmem:s15+$0x7100]  }
0x16f: {  	v2 =	vld [tilespmem:s15+$0x7110]  }
0x170: {  	v3 =	vld [tilespmem:s15+$0x7120]  }
0x171: {  	v4 =	vld [tilespmem:s15+$0x7130]  }
0x172: {  	[tilespmem:s15+$0xF170] =	vst.add.f32.msk $0xffff, v0  }
0x173: {  	v0 =	vld [tilespmem:s15+$0x7140]  }
0x174: {  	v5 =	vld [tilespmem:s15+$0x7150]  }
0x175: {  	v6 =	vld [tilespmem:s15+$0x7160]  }
0x176: {  	[tilespmem:s15+$0xF100] =	vst.add.f32.msk $0xffff, v1  }
0x177: {  	[tilespmem:s15+$0xF110] =	vst.add.f32.msk $0xffff, v2  }
.Ltmp7:
0x178: {  	[tilespmem:s15+$0xF120] =	vst.add.f32.msk $0xffff, v3;
	(pc) =	sbr.rel @p0 .LBB2_16-.Ltmp7, $4  }
0x179: {  	[tilespmem:s15+$0xF130] =	vst.add.f32.msk $0xffff, v4  }
0x17a: {  	[tilespmem:s15+$0xF140] =	vst.add.f32.msk $0xffff, v0  }
0x17b: {  	[tilespmem:s15+$0xF150] =	vst.add.f32.msk $0xffff, v5  }
0x17c: {  	[tilespmem:s15+$0xF160] =	vst.add.f32.msk $0xffff, v6;
	s15 =	sshra.s32 s2, $0x2;
	s2 =	sadd.s32 $0x200, s2  }
0x17d: {  	v0 =	vld [tilespmem:s15+$0x7170]  }
0x17e: {  	v1 =	vld [tilespmem:s15+$0x7100]  }
0x17f: {  	v2 =	vld [tilespmem:s15+$0x7110]  }
0x180: {  	v3 =	vld [tilespmem:s15+$0x7120]  }
0x181: {  	v4 =	vld [tilespmem:s15+$0x7130]  }
0x182: {  	v63 =	vld [tilespmem:s15+$0x7140]  }
0x183: {  	v5 =	vld [tilespmem:s15+$0x7150]  }
0x184: {  	v6 =	vld [tilespmem:s15+$0x7160]  }
0x185: {  	[tilespmem:s15+$0xF170] =	vst.add.f32.msk $0xffff, v0  }
0x186: {  	[tilespmem:s15+$0xF100] =	vst.add.f32.msk $0xffff, v1  }
0x187: {  	[tilespmem:s15+$0xF110] =	vst.add.f32.msk $0xffff, v2  }
0x188: {  	[tilespmem:s15+$0xF120] =	vst.add.f32.msk $0xffff, v3  }
0x189: {  	[tilespmem:s15+$0xF130] =	vst.add.f32.msk $0xffff, v4  }
0x18a: {  	[tilespmem:s15+$0xF140] =	vst.add.f32.msk $0xffff, v63  }
0x18b: {  	[tilespmem:s15+$0xF150] =	vst.add.f32.msk $0xffff, v5  }
0x18c: {  	s2 =	rddreg [dreg:$0x18];
	s3 =	simm.s32 $0xF100;
	[tilespmem:s15+$0xF160] =	vst.add.f32.msk $0xffff, v6;
	s15 =	simm.s32 $0x0  }
0x18d: {  	[hbm4b:s2+s15] =	stream.linear.scatter [tilespmem:s3], [sflag:$0x18], $0x1000, $0x38;
	[tilespmem:$0x12100] =	vst v63  }
0x18e: {  	_ =	swait.ge [sflag:s26], $0x1000  }
0x18f: {  	[sflag:s26] =	ssyncset.done $0x0  }
0x190: {  	[sflag:s26] =	ssyncadd.s32 $0xFFFFF000  }
0x191: {  	_ =	swait.ge [sflag:s30], $0x1000  }
0x192: {  	[sflag:s30] =	ssyncset.done $0x0  }
0x193: {  	[sflag:s30] =	ssyncadd.s32 $0xFFFFF000  }
0x194: {  	_ =	swait.ge [sflag:s31], $0x1000  }
0x195: {  	[sflag:s31] =	ssyncset.done $0x0  }
0x196: {  	[sflag:s31] =	ssyncadd.s32 $0xFFFFF000  }
0x197: {  	_ =	swait.ge [sflag:s0], $0x1000  }
0x198: {  	[sflag:s0] =	ssyncset.done $0x0  }
0x199: {  	[sflag:s0] =	ssyncadd.s32 $0xFFFFF000  }
0x19a: {  	_ =	swait.ge [sflag:s4], $0x1000  }
0x19b: {  	[sflag:s4] =	ssyncset.done $0x0  }
0x19c: {  	[sflag:s4] =	ssyncadd.s32 $0xFFFFF000  }
0x19d: {  	_ =	swait.ge [sflag:s6], $0x1000  }
0x19e: {  	[sflag:s6] =	ssyncset.done $0x0  }
0x19f: {  	[sflag:s6] =	ssyncadd.s32 $0xFFFFF000  }
0x1a0: {  	_ =	swait.ge [sflag:s7], $0x1000  }
0x1a1: {  	[sflag:s7] =	ssyncset.done $0x0  }
0x1a2: {  	[sflag:s7] =	ssyncadd.s32 $0xFFFFF000  }
0x1a3: {  	_ =	swait.ge [sflag:s8], $0x1000  }
0x1a4: {  	s5 =	sadd.s32 $0x1, s5;
	s28 =	rddreg [dreg:$0x19]  }
0x1a5: {  	p0 =	sne.s32 s5, s28  }
.Ltmp8:
0x1a6: {  	_ = 	snop;
	(pc) =	sbr.rel @p0 .LBB2_1-.Ltmp8, $3  }
0x1a7: {  	_ =	sdelay $0x1  }
0x1a8: {  	[sflag:s8] =	ssyncset.done $0x0  }
0x1a9: {  	[sflag:s8] =	ssyncadd.s32 $0xFFFFF000  }
0x1aa: {  	_ =	sfence.sel $0x180000  }
0x1ab: {  	[bflag:$0x0] =	sbarrier.arrive $0xFFFF  }
0x1ac: {  	_ =	strace $0x90000047  }
0x1ad: {  	s0 =	stileid.u32;
	[bflag:$0x2] =	sbarrier.arrive $0xFFFF  }
0x1ae: {  	p0 =	sne.s32 s0, $0x0;
	s0 =	rddreg [dreg:$0x5]  }
0x1af: {  	s0 =	sadd.s32 @!p0 $0x100000, s0  }
0x1b0: {  	[sflag:s0] =	ssyncadd.tile.s32 @!p0 $0x1;
	_ =	shalt  }
.Lfunc_end2:
_tile_overlayer_lowered:
.L_overlay_start_2:
0x1b1: {  	(tag) =	ssettag $0x2  }
0x1b2: {  	s0 =	rddreg [dreg:$0x0];
	s2 =	stileid.u32  }
0x1b3: {  	s1 =	rddreg [dreg:$0x1];
	p0 =	sne.s32 s2, $0x0  }
0x1b4: {  	s3 =	rddreg [dreg:$0x2];
	[bflag:$0x3] =	sbarrier.arrive $0xFFFF;
	s2 =	simm.s32 @!p0 $0x1C1A  }
0x1b5: {  	[timem:s3], [sflag:s2] =	dma.local @!p0 [hbm:s0], s1  }
0x1b6: {  	s0 =	simm.s32 @!p0 $0x1A  }
0x1b7: {  	_ =	swait.ge @!p0 [sflag:s0], s1  }
0x1b8: {  	s1 =	ssub.s32 @!p0 $0x0, s1;
	[sflag:s0] =	ssyncset.done @!p0 $0x0  }
0x1b9: {  	[sflag:s0] =	ssyncadd.s32 @!p0 s1  }
0x1ba: {  	[bflag:$0x3] =	sbarrier.arrive $0xFFFF  }
0x1bb: {  	_ =	shalt  }

</sc_bundles>
